<compile_context>
chip_gen: v7x
topology: tpu7x:2x2x1
jax: 0.10.2.dev20260603
libtpu: 0.0.44.dev20260713+nightly
codegen_flags: <defaults>
</compile_context>

<pallas_src>
import functools

import jax
import jax.numpy as jnp
from jax import lax
from jax.experimental import pallas as pl
from jax.experimental.pallas import tpu as pltpu
from jax.experimental.pallas import tpu_sc as plsc

NUM_EMB = 1000000
DIM = 64
BATCH = 16384


@functools.cache
def _build():
    info = plsc.get_sparse_core_info()
    NC, NS = info.num_cores, info.num_subcores
    NW = NC * NS
    bpw = BATCH // NW
    NBUF = 8

    mesh = plsc.VectorSubcoreMesh(core_axis_name="c", subcore_axis_name="s")

    @functools.partial(
        pl.kernel,
        mesh=mesh,
        compiler_params=pltpu.CompilerParams(needs_layout_passes=False),
        out_type=jax.ShapeDtypeStruct((BATCH, DIM), jnp.float32),
        scratch_types=[
            pltpu.VMEM((bpw + 16,), jnp.int32),
            pltpu.VMEM((NBUF, DIM, 128), jnp.float32),
            pltpu.VMEM((bpw // 2, DIM), jnp.float32),
            pltpu.SemaphoreType.DMA,
        ],
    )
    def gather_cols(tt, idx_hbm, out, idx_v, rbuf, out_v, sem):
        wid = lax.axis_index("s") * NC + lax.axis_index("c")
        base = wid * bpw
        pltpu.sync_copy(idx_hbm.at[pl.ds(base, bpw)], idx_v.at[pl.ds(0, bpw)])

        lanes = lax.iota(jnp.int32, 16)

        def fetch(k, slot):
            tc = idx_v[pl.ds(k, 16)][0] >> 7
            pltpu.async_copy(
                tt.at[:, pl.ds(tc * 128, 128)], rbuf.at[slot], sem
            )

        for k in range(NBUF):
            fetch(k, k)

        def body(k8, carry):
            for g4 in range(2):
                pltpu.make_async_copy(
                    tt.at[:, pl.ds(0, 4 * 128)],
                    rbuf.at[pl.ds(g4 * 4, 4)], sem
                ).wait()
                for r4 in range(4):
                    r = g4 * 4 + r4
                    k = k8 * NBUF + r
                    cc = jnp.full(
                        (16,), idx_v[pl.ds(k, 16)][0] & 127, jnp.int32
                    )
                    kk = jnp.full((16,), k & (bpw // 2 - 1), jnp.int32)
                    for g in range(DIM // 16):
                        rows = g * 16 + lanes
                        x = plsc.load_gather(rbuf.at[r], [rows, cc])
                        plsc.store_scatter(out_v, [kk, rows], x)

                    @pl.when(k < bpw - NBUF)
                    def _next(k=k, r=r):
                        fetch(k + NBUF, r)

            return carry

        half = bpw // 2
        lax.fori_loop(0, half // NBUF, body, 0)
        pltpu.sync_copy(out_v, out.at[pl.ds(base, half), :])
        lax.fori_loop(half // NBUF, bpw // NBUF, body, 0)
        pltpu.sync_copy(out_v, out.at[pl.ds(base + half, half), :])

    return gather_cols


def kernel(table, batch_idx):
    f = _build()
    return f(table.T, batch_idx.astype(jnp.int32))

# --- scband reference (transcript-rebuilt; emitter-appended) ---
"""Pipeline reference for scband-featurizer-12670153523817 (READ-ONLY COPY).

The authoritative reference and input builder live on the scoring server;
editing this copy changes nothing except your own understanding.
"""

import jax, jax.numpy as jnp
import numpy as np

NUM_EMBEDDINGS = 1000000
EMBED_DIM = 64
BATCH = 16384

def setup_inputs(seed: int = 0) -> dict:
    key = jax.random.key(seed)
    k_tab, k_idx = jax.random.split(key)
    table = jax.random.normal(k_tab, (NUM_EMBEDDINGS, EMBED_DIM), dtype=jnp.float32)
    batch_idx = jax.random.randint(k_idx, (BATCH,), 0, NUM_EMBEDDINGS, dtype=jnp.int64 if jax.config.read('jax_enable_x64') else jnp.int32)
    return {"table": table, "batch_idx": batch_idx}

def reference(table, batch_idx):
    # Featurizer.forward: embedding lookup of pre-trained features
    return jnp.take(table, batch_idx, axis=0)

if __name__ == "__main__":
    import jax
    _d = setup_inputs()
    print(jax.jit(kernel)(*tuple(_d.values())))

</pallas_src>

<mosaic_0001>
#map = affine_map<(d0, d1) -> (0, 0)>
#map1 = affine_map<(d0, d1) -> (0)>
module attributes {stable_mosaic.version = 14 : i64} {
  func.func @gather_cols(%arg0: i32, %arg1: i32, %arg2: memref<64x1000000xf32, #tpu.memory_space<hbm>>, %arg3: memref<16384xi32, #tpu.memory_space<hbm>>, %arg4: memref<16384x64xf32, #tpu.memory_space<hbm>>, %arg5: memref<528xi32, #tpu.memory_space<vmem>>, %arg6: memref<8x64x128xf32, #tpu.memory_space<vmem>>, %arg7: memref<256x64xf32, #tpu.memory_space<vmem>>, %arg8: memref<!tpu.dma_semaphore, #tpu.memory_space<semaphore_mem>>) attributes {dimension_semantics = [#tpu.dimension_semantics<core_parallel>, #tpu.dimension_semantics<subcore_parallel>], iteration_bounds = array<i64: 2, 16>, scalar_prefetch = 0 : i64, scratch_operands = 4 : i64, tpu.core_type = #tpu.core_type<sc_vector_subcore>, window_params = [{transform_indices = #map}, {transform_indices = #map1}, {transform_indices = #map}]} {
    %mul3A = arith.constant 2 : i32
    %mul3A_0 = arith.muli %arg1, %mul3A : i32
    %add3A = arith.addi %mul3A_0, %arg0 : i32
    %mul3A_1 = arith.constant 512 : i32
    %mul3A_2 = arith.muli %add3A, %mul3A_1 : i32
    "tpu.region"() ({
      %run_scoped3A = tpu.sem_alloc : memref<!tpu.dma_semaphore, #tpu.memory_space<semaphore_mem>>
      %dma_start3A_179 = arith.constant 0 : i32
      %dma_start3A_180 = tpu.memref_slice %arg5[%dma_start3A_179] : memref<528xi32, #tpu.memory_space<vmem>> -> memref<512xi32, #tpu.memory_space<vmem>>
      %dma_start3A_181 = tpu.memref_slice %arg3[%mul3A_2] : memref<16384xi32, #tpu.memory_space<hbm>> -> memref<512xi32, #tpu.memory_space<hbm>>
      %dma_start3A_182 = arith.constant 0 : i32
      %dma_start3A_183 = tpu.memref_slice %arg5[%dma_start3A_182] : memref<528xi32, #tpu.memory_space<vmem>> -> memref<512xi32, #tpu.memory_space<vmem>>
      %dma_start3A_184 = tpu.memref_slice %arg3[%mul3A_2] : memref<16384xi32, #tpu.memory_space<hbm>> -> memref<512xi32, #tpu.memory_space<hbm>>
      tpu.enqueue_dma source(%dma_start3A_184 : memref<512xi32, #tpu.memory_space<hbm>>) target(%dma_start3A_183 : memref<512xi32, #tpu.memory_space<vmem>>) target_semaphore(%run_scoped3A : memref<!tpu.dma_semaphore, #tpu.memory_space<semaphore_mem>>)
      %dma_wait3A = arith.constant 0 : i32
      %dma_wait3A_185 = tpu.memref_slice %arg5[%dma_wait3A] : memref<528xi32, #tpu.memory_space<vmem>> -> memref<512xi32, #tpu.memory_space<vmem>>
      %dma_wait3A_186 = tpu.memref_slice %arg3[%mul3A_2] : memref<16384xi32, #tpu.memory_space<hbm>> -> memref<512xi32, #tpu.memory_space<hbm>>
      %dma_wait3A_187 = arith.constant 0 : i32
      %dma_wait3A_188 = tpu.memref_slice %arg5[%dma_wait3A_187] : memref<528xi32, #tpu.memory_space<vmem>> -> memref<512xi32, #tpu.memory_space<vmem>>
      %dma_wait3A_189 = tpu.memref_slice %arg3[%mul3A_2] : memref<16384xi32, #tpu.memory_space<hbm>> -> memref<512xi32, #tpu.memory_space<hbm>>
      tpu.wait_dma2 semaphore(%run_scoped3A : memref<!tpu.dma_semaphore, #tpu.memory_space<semaphore_mem>>) src(%dma_wait3A_189 : memref<512xi32, #tpu.memory_space<hbm>>) dst(%dma_wait3A_188 : memref<512xi32, #tpu.memory_space<vmem>>)
      tpu.yield
    }) : () -> ()
    %iota3A = tpu.iota {dimensions = array<i32: 0>} : vector<16xi32>
    %get3A = arith.constant 0 : index
    %get3A_3 = tpu.vector_load %arg5[%get3A] {strides = array<i32>} : memref<528xi32, #tpu.memory_space<vmem>>, vector<16xi32>,
    %slice3A = vector.extract_strided_slice %get3A_3 {offsets = [0], sizes = [1], strides = [1]} : vector<16xi32> to vector<1xi32>
    %squeeze3A = vector.extract %slice3A[0] : i32 from vector<1xi32>
    %shift_right_arithmetic3A = arith.constant 7 : i32
    %shift_right_arithmetic3A_4 = arith.shrsi %squeeze3A, %shift_right_arithmetic3A : i32
    %mul3A_5 = arith.constant 128 : i32
    %mul3A_6 = arith.muli %shift_right_arithmetic3A_4, %mul3A_5 : i32
    %dma_start3A = arith.constant 0 : i32
    %dma_start3A_7 = arith.constant 0 : i32
    %dma_start3A_8 = arith.constant 0 : i32
    %dma_start3A_9 = tpu.memref_slice %arg6[%dma_start3A, %dma_start3A_7, %dma_start3A_8] : memref<8x64x128xf32, #tpu.memory_space<vmem>> -> memref<1x64x128xf32, #tpu.memory_space<vmem>>
    %dma_start3A_10 = tpu.memref_squeeze %dma_start3A_9 : memref<1x64x128xf32, #tpu.memory_space<vmem>> -> memref<64x128xf32, #tpu.memory_space<vmem>>
    %dma_start3A_11 = arith.constant 0 : i32
    %dma_start3A_12 = tpu.memref_slice %arg2[%dma_start3A_11, %mul3A_6] : memref<64x1000000xf32, #tpu.memory_space<hbm>> -> memref<64x128xf32, #tpu.memory_space<hbm>>
    %dma_start3A_13 = arith.constant 0 : i32
    %dma_start3A_14 = arith.constant 0 : i32
    %dma_start3A_15 = tpu.memref_slice %arg6[%dma_start3A, %dma_start3A_13, %dma_start3A_14] : memref<8x64x128xf32, #tpu.memory_space<vmem>> -> memref<1x64x128xf32, #tpu.memory_space<vmem>>
    %dma_start3A_16 = tpu.memref_squeeze %dma_start3A_15 : memref<1x64x128xf32, #tpu.memory_space<vmem>> -> memref<64x128xf32, #tpu.memory_space<vmem>>
    %dma_start3A_17 = arith.constant 0 : i32
    %dma_start3A_18 = tpu.memref_slice %arg2[%dma_start3A_17, %mul3A_6] : memref<64x1000000xf32, #tpu.memory_space<hbm>> -> memref<64x128xf32, #tpu.memory_space<hbm>>
    tpu.enqueue_dma source(%dma_start3A_18 : memref<64x128xf32, #tpu.memory_space<hbm>>) target(%dma_start3A_16 : memref<64x128xf32, #tpu.memory_space<vmem>>) target_semaphore(%arg8 : memref<!tpu.dma_semaphore, #tpu.memory_space<semaphore_mem>>)
    %get3A_19 = arith.constant 1 : index
    %get3A_20 = tpu.vector_load %arg5[%get3A_19] {strides = array<i32>} : memref<528xi32, #tpu.memory_space<vmem>>, vector<16xi32>,
    %slice3A_21 = vector.extract_strided_slice %get3A_20 {offsets = [0], sizes = [1], strides = [1]} : vector<16xi32> to vector<1xi32>
    %squeeze3A_22 = vector.extract %slice3A_21[0] : i32 from vector<1xi32>
    %shift_right_arithmetic3A_23 = arith.constant 7 : i32
    %shift_right_arithmetic3A_24 = arith.shrsi %squeeze3A_22, %shift_right_arithmetic3A_23 : i32
    %mul3A_25 = arith.constant 128 : i32
    %mul3A_26 = arith.muli %shift_right_arithmetic3A_24, %mul3A_25 : i32
    %dma_start3A_27 = arith.constant 1 : i32
    %dma_start3A_28 = arith.constant 0 : i32
    %dma_start3A_29 = arith.constant 0 : i32
    %dma_start3A_30 = tpu.memref_slice %arg6[%dma_start3A_27, %dma_start3A_28, %dma_start3A_29] : memref<8x64x128xf32, #tpu.memory_space<vmem>> -> memref<1x64x128xf32, #tpu.memory_space<vmem>>
    %dma_start3A_31 = tpu.memref_squeeze %dma_start3A_30 : memref<1x64x128xf32, #tpu.memory_space<vmem>> -> memref<64x128xf32, #tpu.memory_space<vmem>>
    %dma_start3A_32 = arith.constant 0 : i32
    %dma_start3A_33 = tpu.memref_slice %arg2[%dma_start3A_32, %mul3A_26] : memref<64x1000000xf32, #tpu.memory_space<hbm>> -> memref<64x128xf32, #tpu.memory_space<hbm>>
    %dma_start3A_34 = arith.constant 0 : i32
    %dma_start3A_35 = arith.constant 0 : i32
    %dma_start3A_36 = tpu.memref_slice %arg6[%dma_start3A_27, %dma_start3A_34, %dma_start3A_35] : memref<8x64x128xf32, #tpu.memory_space<vmem>> -> memref<1x64x128xf32, #tpu.memory_space<vmem>>
    %dma_start3A_37 = tpu.memref_squeeze %dma_start3A_36 : memref<1x64x128xf32, #tpu.memory_space<vmem>> -> memref<64x128xf32, #tpu.memory_space<vmem>>
    %dma_start3A_38 = arith.constant 0 : i32
    %dma_start3A_39 = tpu.memref_slice %arg2[%dma_start3A_38, %mul3A_26] : memref<64x1000000xf32, #tpu.memory_space<hbm>> -> memref<64x128xf32, #tpu.memory_space<hbm>>
    tpu.enqueue_dma source(%dma_start3A_39 : memref<64x128xf32, #tpu.memory_space<hbm>>) target(%dma_start3A_37 : memref<64x128xf32, #tpu.memory_space<vmem>>) target_semaphore(%arg8 : memref<!tpu.dma_semaphore, #tpu.memory_space<semaphore_mem>>)
    %get3A_40 = arith.constant 2 : index
    %get3A_41 = tpu.vector_load %arg5[%get3A_40] {strides = array<i32>} : memref<528xi32, #tpu.memory_space<vmem>>, vector<16xi32>,
    %slice3A_42 = vector.extract_strided_slice %get3A_41 {offsets = [0], sizes = [1], strides = [1]} : vector<16xi32> to vector<1xi32>
    %squeeze3A_43 = vector.extract %slice3A_42[0] : i32 from vector<1xi32>
    %shift_right_arithmetic3A_44 = arith.constant 7 : i32
    %shift_right_arithmetic3A_45 = arith.shrsi %squeeze3A_43, %shift_right_arithmetic3A_44 : i32
    %mul3A_46 = arith.constant 128 : i32
    %mul3A_47 = arith.muli %shift_right_arithmetic3A_45, %mul3A_46 : i32
    %dma_start3A_48 = arith.constant 2 : i32
    %dma_start3A_49 = arith.constant 0 : i32
    %dma_start3A_50 = arith.constant 0 : i32
    %dma_start3A_51 = tpu.memref_slice %arg6[%dma_start3A_48, %dma_start3A_49, %dma_start3A_50] : memref<8x64x128xf32, #tpu.memory_space<vmem>> -> memref<1x64x128xf32, #tpu.memory_space<vmem>>
    %dma_start3A_52 = tpu.memref_squeeze %dma_start3A_51 : memref<1x64x128xf32, #tpu.memory_space<vmem>> -> memref<64x128xf32, #tpu.memory_space<vmem>>
    %dma_start3A_53 = arith.constant 0 : i32
    %dma_start3A_54 = tpu.memref_slice %arg2[%dma_start3A_53, %mul3A_47] : memref<64x1000000xf32, #tpu.memory_space<hbm>> -> memref<64x128xf32, #tpu.memory_space<hbm>>
    %dma_start3A_55 = arith.constant 0 : i32
    %dma_start3A_56 = arith.constant 0 : i32
    %dma_start3A_57 = tpu.memref_slice %arg6[%dma_start3A_48, %dma_start3A_55, %dma_start3A_56] : memref<8x64x128xf32, #tpu.memory_space<vmem>> -> memref<1x64x128xf32, #tpu.memory_space<vmem>>
    %dma_start3A_58 = tpu.memref_squeeze %dma_start3A_57 : memref<1x64x128xf32, #tpu.memory_space<vmem>> -> memref<64x128xf32, #tpu.memory_space<vmem>>
    %dma_start3A_59 = arith.constant 0 : i32
    %dma_start3A_60 = tpu.memref_slice %arg2[%dma_start3A_59, %mul3A_47] : memref<64x1000000xf32, #tpu.memory_space<hbm>> -> memref<64x128xf32, #tpu.memory_space<hbm>>
    tpu.enqueue_dma source(%dma_start3A_60 : memref<64x128xf32, #tpu.memory_space<hbm>>) target(%dma_start3A_58 : memref<64x128xf32, #tpu.memory_space<vmem>>) target_semaphore(%arg8 : memref<!tpu.dma_semaphore, #tpu.memory_space<semaphore_mem>>)
    %get3A_61 = arith.constant 3 : index
    %get3A_62 = tpu.vector_load %arg5[%get3A_61] {strides = array<i32>} : memref<528xi32, #tpu.memory_space<vmem>>, vector<16xi32>,
    %slice3A_63 = vector.extract_strided_slice %get3A_62 {offsets = [0], sizes = [1], strides = [1]} : vector<16xi32> to vector<1xi32>
    %squeeze3A_64 = vector.extract %slice3A_63[0] : i32 from vector<1xi32>
    %shift_right_arithmetic3A_65 = arith.constant 7 : i32
    %shift_right_arithmetic3A_66 = arith.shrsi %squeeze3A_64, %shift_right_arithmetic3A_65 : i32
    %mul3A_67 = arith.constant 128 : i32
    %mul3A_68 = arith.muli %shift_right_arithmetic3A_66, %mul3A_67 : i32
    %dma_start3A_69 = arith.constant 3 : i32
    %dma_start3A_70 = arith.constant 0 : i32
    %dma_start3A_71 = arith.constant 0 : i32
    %dma_start3A_72 = tpu.memref_slice %arg6[%dma_start3A_69, %dma_start3A_70, %dma_start3A_71] : memref<8x64x128xf32, #tpu.memory_space<vmem>> -> memref<1x64x128xf32, #tpu.memory_space<vmem>>
    %dma_start3A_73 = tpu.memref_squeeze %dma_start3A_72 : memref<1x64x128xf32, #tpu.memory_space<vmem>> -> memref<64x128xf32, #tpu.memory_space<vmem>>
    %dma_start3A_74 = arith.constant 0 : i32
    %dma_start3A_75 = tpu.memref_slice %arg2[%dma_start3A_74, %mul3A_68] : memref<64x1000000xf32, #tpu.memory_space<hbm>> -> memref<64x128xf32, #tpu.memory_space<hbm>>
    %dma_start3A_76 = arith.constant 0 : i32
    %dma_start3A_77 = arith.constant 0 : i32
    %dma_start3A_78 = tpu.memref_slice %arg6[%dma_start3A_69, %dma_start3A_76, %dma_start3A_77] : memref<8x64x128xf32, #tpu.memory_space<vmem>> -> memref<1x64x128xf32, #tpu.memory_space<vmem>>
    %dma_start3A_79 = tpu.memref_squeeze %dma_start3A_78 : memref<1x64x128xf32, #tpu.memory_space<vmem>> -> memref<64x128xf32, #tpu.memory_space<vmem>>
    %dma_start3A_80 = arith.constant 0 : i32
    %dma_start3A_81 = tpu.memref_slice %arg2[%dma_start3A_80, %mul3A_68] : memref<64x1000000xf32, #tpu.memory_space<hbm>> -> memref<64x128xf32, #tpu.memory_space<hbm>>
    tpu.enqueue_dma source(%dma_start3A_81 : memref<64x128xf32, #tpu.memory_space<hbm>>) target(%dma_start3A_79 : memref<64x128xf32, #tpu.memory_space<vmem>>) target_semaphore(%arg8 : memref<!tpu.dma_semaphore, #tpu.memory_space<semaphore_mem>>)
    %get3A_82 = arith.constant 4 : index
    %get3A_83 = tpu.vector_load %arg5[%get3A_82] {strides = array<i32>} : memref<528xi32, #tpu.memory_space<vmem>>, vector<16xi32>,
    %slice3A_84 = vector.extract_strided_slice %get3A_83 {offsets = [0], sizes = [1], strides = [1]} : vector<16xi32> to vector<1xi32>
    %squeeze3A_85 = vector.extract %slice3A_84[0] : i32 from vector<1xi32>
    %shift_right_arithmetic3A_86 = arith.constant 7 : i32
    %shift_right_arithmetic3A_87 = arith.shrsi %squeeze3A_85, %shift_right_arithmetic3A_86 : i32
    %mul3A_88 = arith.constant 128 : i32
    %mul3A_89 = arith.muli %shift_right_arithmetic3A_87, %mul3A_88 : i32
    %dma_start3A_90 = arith.constant 4 : i32
    %dma_start3A_91 = arith.constant 0 : i32
    %dma_start3A_92 = arith.constant 0 : i32
    %dma_start3A_93 = tpu.memref_slice %arg6[%dma_start3A_90, %dma_start3A_91, %dma_start3A_92] : memref<8x64x128xf32, #tpu.memory_space<vmem>> -> memref<1x64x128xf32, #tpu.memory_space<vmem>>
    %dma_start3A_94 = tpu.memref_squeeze %dma_start3A_93 : memref<1x64x128xf32, #tpu.memory_space<vmem>> -> memref<64x128xf32, #tpu.memory_space<vmem>>
    %dma_start3A_95 = arith.constant 0 : i32
    %dma_start3A_96 = tpu.memref_slice %arg2[%dma_start3A_95, %mul3A_89] : memref<64x1000000xf32, #tpu.memory_space<hbm>> -> memref<64x128xf32, #tpu.memory_space<hbm>>
    %dma_start3A_97 = arith.constant 0 : i32
    %dma_start3A_98 = arith.constant 0 : i32
    %dma_start3A_99 = tpu.memref_slice %arg6[%dma_start3A_90, %dma_start3A_97, %dma_start3A_98] : memref<8x64x128xf32, #tpu.memory_space<vmem>> -> memref<1x64x128xf32, #tpu.memory_space<vmem>>
    %dma_start3A_100 = tpu.memref_squeeze %dma_start3A_99 : memref<1x64x128xf32, #tpu.memory_space<vmem>> -> memref<64x128xf32, #tpu.memory_space<vmem>>
    %dma_start3A_101 = arith.constant 0 : i32
    %dma_start3A_102 = tpu.memref_slice %arg2[%dma_start3A_101, %mul3A_89] : memref<64x1000000xf32, #tpu.memory_space<hbm>> -> memref<64x128xf32, #tpu.memory_space<hbm>>
    tpu.enqueue_dma source(%dma_start3A_102 : memref<64x128xf32, #tpu.memory_space<hbm>>) target(%dma_start3A_100 : memref<64x128xf32, #tpu.memory_space<vmem>>) target_semaphore(%arg8 : memref<!tpu.dma_semaphore, #tpu.memory_space<semaphore_mem>>)
    %get3A_103 = arith.constant 5 : index
    %get3A_104 = tpu.vector_load %arg5[%get3A_103] {strides = array<i32>} : memref<528xi32, #tpu.memory_space<vmem>>, vector<16xi32>,
    %slice3A_105 = vector.extract_strided_slice %get3A_104 {offsets = [0], sizes = [1], strides = [1]} : vector<16xi32> to vector<1xi32>
    %squeeze3A_106 = vector.extract %slice3A_105[0] : i32 from vector<1xi32>
    %shift_right_arithmetic3A_107 = arith.constant 7 : i32
    %shift_right_arithmetic3A_108 = arith.shrsi %squeeze3A_106, %shift_right_arithmetic3A_107 : i32
    %mul3A_109 = arith.constant 128 : i32
    %mul3A_110 = arith.muli %shift_right_arithmetic3A_108, %mul3A_109 : i32
    %dma_start3A_111 = arith.constant 5 : i32
    %dma_start3A_112 = arith.constant 0 : i32
    %dma_start3A_113 = arith.constant 0 : i32
    %dma_start3A_114 = tpu.memref_slice %arg6[%dma_start3A_111, %dma_start3A_112, %dma_start3A_113] : memref<8x64x128xf32, #tpu.memory_space<vmem>> -> memref<1x64x128xf32, #tpu.memory_space<vmem>>
    %dma_start3A_115 = tpu.memref_squeeze %dma_start3A_114 : memref<1x64x128xf32, #tpu.memory_space<vmem>> -> memref<64x128xf32, #tpu.memory_space<vmem>>
    %dma_start3A_116 = arith.constant 0 : i32
    %dma_start3A_117 = tpu.memref_slice %arg2[%dma_start3A_116, %mul3A_110] : memref<64x1000000xf32, #tpu.memory_space<hbm>> -> memref<64x128xf32, #tpu.memory_space<hbm>>
    %dma_start3A_118 = arith.constant 0 : i32
    %dma_start3A_119 = arith.constant 0 : i32
    %dma_start3A_120 = tpu.memref_slice %arg6[%dma_start3A_111, %dma_start3A_118, %dma_start3A_119] : memref<8x64x128xf32, #tpu.memory_space<vmem>> -> memref<1x64x128xf32, #tpu.memory_space<vmem>>
    %dma_start3A_121 = tpu.memref_squeeze %dma_start3A_120 : memref<1x64x128xf32, #tpu.memory_space<vmem>> -> memref<64x128xf32, #tpu.memory_space<vmem>>
    %dma_start3A_122 = arith.constant 0 : i32
    %dma_start3A_123 = tpu.memref_slice %arg2[%dma_start3A_122, %mul3A_110] : memref<64x1000000xf32, #tpu.memory_space<hbm>> -> memref<64x128xf32, #tpu.memory_space<hbm>>
    tpu.enqueue_dma source(%dma_start3A_123 : memref<64x128xf32, #tpu.memory_space<hbm>>) target(%dma_start3A_121 : memref<64x128xf32, #tpu.memory_space<vmem>>) target_semaphore(%arg8 : memref<!tpu.dma_semaphore, #tpu.memory_space<semaphore_mem>>)
    %get3A_124 = arith.constant 6 : index
    %get3A_125 = tpu.vector_load %arg5[%get3A_124] {strides = array<i32>} : memref<528xi32, #tpu.memory_space<vmem>>, vector<16xi32>,
    %slice3A_126 = vector.extract_strided_slice %get3A_125 {offsets = [0], sizes = [1], strides = [1]} : vector<16xi32> to vector<1xi32>
    %squeeze3A_127 = vector.extract %slice3A_126[0] : i32 from vector<1xi32>
    %shift_right_arithmetic3A_128 = arith.constant 7 : i32
    %shift_right_arithmetic3A_129 = arith.shrsi %squeeze3A_127, %shift_right_arithmetic3A_128 : i32
    %mul3A_130 = arith.constant 128 : i32
    %mul3A_131 = arith.muli %shift_right_arithmetic3A_129, %mul3A_130 : i32
    %dma_start3A_132 = arith.constant 6 : i32
    %dma_start3A_133 = arith.constant 0 : i32
    %dma_start3A_134 = arith.constant 0 : i32
    %dma_start3A_135 = tpu.memref_slice %arg6[%dma_start3A_132, %dma_start3A_133, %dma_start3A_134] : memref<8x64x128xf32, #tpu.memory_space<vmem>> -> memref<1x64x128xf32, #tpu.memory_space<vmem>>
    %dma_start3A_136 = tpu.memref_squeeze %dma_start3A_135 : memref<1x64x128xf32, #tpu.memory_space<vmem>> -> memref<64x128xf32, #tpu.memory_space<vmem>>
    %dma_start3A_137 = arith.constant 0 : i32
    %dma_start3A_138 = tpu.memref_slice %arg2[%dma_start3A_137, %mul3A_131] : memref<64x1000000xf32, #tpu.memory_space<hbm>> -> memref<64x128xf32, #tpu.memory_space<hbm>>
    %dma_start3A_139 = arith.constant 0 : i32
    %dma_start3A_140 = arith.constant 0 : i32
    %dma_start3A_141 = tpu.memref_slice %arg6[%dma_start3A_132, %dma_start3A_139, %dma_start3A_140] : memref<8x64x128xf32, #tpu.memory_space<vmem>> -> memref<1x64x128xf32, #tpu.memory_space<vmem>>
    %dma_start3A_142 = tpu.memref_squeeze %dma_start3A_141 : memref<1x64x128xf32, #tpu.memory_space<vmem>> -> memref<64x128xf32, #tpu.memory_space<vmem>>
    %dma_start3A_143 = arith.constant 0 : i32
    %dma_start3A_144 = tpu.memref_slice %arg2[%dma_start3A_143, %mul3A_131] : memref<64x1000000xf32, #tpu.memory_space<hbm>> -> memref<64x128xf32, #tpu.memory_space<hbm>>
    tpu.enqueue_dma source(%dma_start3A_144 : memref<64x128xf32, #tpu.memory_space<hbm>>) target(%dma_start3A_142 : memref<64x128xf32, #tpu.memory_space<vmem>>) target_semaphore(%arg8 : memref<!tpu.dma_semaphore, #tpu.memory_space<semaphore_mem>>)
    %get3A_145 = arith.constant 7 : index
    %get3A_146 = tpu.vector_load %arg5[%get3A_145] {strides = array<i32>} : memref<528xi32, #tpu.memory_space<vmem>>, vector<16xi32>,
    %slice3A_147 = vector.extract_strided_slice %get3A_146 {offsets = [0], sizes = [1], strides = [1]} : vector<16xi32> to vector<1xi32>
    %squeeze3A_148 = vector.extract %slice3A_147[0] : i32 from vector<1xi32>
    %shift_right_arithmetic3A_149 = arith.constant 7 : i32
    %shift_right_arithmetic3A_150 = arith.shrsi %squeeze3A_148, %shift_right_arithmetic3A_149 : i32
    %mul3A_151 = arith.constant 128 : i32
    %mul3A_152 = arith.muli %shift_right_arithmetic3A_150, %mul3A_151 : i32
    %dma_start3A_153 = arith.constant 7 : i32
    %dma_start3A_154 = arith.constant 0 : i32
    %dma_start3A_155 = arith.constant 0 : i32
    %dma_start3A_156 = tpu.memref_slice %arg6[%dma_start3A_153, %dma_start3A_154, %dma_start3A_155] : memref<8x64x128xf32, #tpu.memory_space<vmem>> -> memref<1x64x128xf32, #tpu.memory_space<vmem>>
    %dma_start3A_157 = tpu.memref_squeeze %dma_start3A_156 : memref<1x64x128xf32, #tpu.memory_space<vmem>> -> memref<64x128xf32, #tpu.memory_space<vmem>>
    %dma_start3A_158 = arith.constant 0 : i32
    %dma_start3A_159 = tpu.memref_slice %arg2[%dma_start3A_158, %mul3A_152] : memref<64x1000000xf32, #tpu.memory_space<hbm>> -> memref<64x128xf32, #tpu.memory_space<hbm>>
    %dma_start3A_160 = arith.constant 0 : i32
    %dma_start3A_161 = arith.constant 0 : i32
    %dma_start3A_162 = tpu.memref_slice %arg6[%dma_start3A_153, %dma_start3A_160, %dma_start3A_161] : memref<8x64x128xf32, #tpu.memory_space<vmem>> -> memref<1x64x128xf32, #tpu.memory_space<vmem>>
    %dma_start3A_163 = tpu.memref_squeeze %dma_start3A_162 : memref<1x64x128xf32, #tpu.memory_space<vmem>> -> memref<64x128xf32, #tpu.memory_space<vmem>>
    %dma_start3A_164 = arith.constant 0 : i32
    %dma_start3A_165 = tpu.memref_slice %arg2[%dma_start3A_164, %mul3A_152] : memref<64x1000000xf32, #tpu.memory_space<hbm>> -> memref<64x128xf32, #tpu.memory_space<hbm>>
    tpu.enqueue_dma source(%dma_start3A_165 : memref<64x128xf32, #tpu.memory_space<hbm>>) target(%dma_start3A_163 : memref<64x128xf32, #tpu.memory_space<vmem>>) target_semaphore(%arg8 : memref<!tpu.dma_semaphore, #tpu.memory_space<semaphore_mem>>)
    %scan3A = arith.constant 0 : i32
    %scan3A_166 = arith.constant 0 : i32
    %scan3A_167 = arith.constant 32 : i32
    %scan3A_168 = arith.addi %scan3A_166, %scan3A_167 : i32
    %scan3A_169 = arith.constant 1 : i32
    scf.for %scan3A_179 = %scan3A_166 to %scan3A_168 step %scan3A_169  : i32 {
      %dma_wait3A = arith.constant 0 : i32
      %dma_wait3A_180 = arith.constant 0 : i32
      %dma_wait3A_181 = arith.constant 0 : i32
      %dma_wait3A_182 = tpu.memref_slice %arg6[%dma_wait3A, %dma_wait3A_180, %dma_wait3A_181] : memref<8x64x128xf32, #tpu.memory_space<vmem>> -> memref<4x64x128xf32, #tpu.memory_space<vmem>>
      %dma_wait3A_183 = arith.constant 0 : i32
      %dma_wait3A_184 = arith.constant 0 : i32
      %dma_wait3A_185 = tpu.memref_slice %arg2[%dma_wait3A_183, %dma_wait3A_184] : memref<64x1000000xf32, #tpu.memory_space<hbm>> -> memref<64x512xf32, #tpu.memory_space<hbm>>
      %dma_wait3A_186 = arith.constant 0 : i32
      %dma_wait3A_187 = arith.constant 0 : i32
      %dma_wait3A_188 = arith.constant 0 : i32
      %dma_wait3A_189 = tpu.memref_slice %arg6[%dma_wait3A_186, %dma_wait3A_187, %dma_wait3A_188] : memref<8x64x128xf32, #tpu.memory_space<vmem>> -> memref<4x64x128xf32, #tpu.memory_space<vmem>>
      %dma_wait3A_190 = arith.constant 0 : i32
      %dma_wait3A_191 = arith.constant 0 : i32
      %dma_wait3A_192 = tpu.memref_slice %arg2[%dma_wait3A_190, %dma_wait3A_191] : memref<64x1000000xf32, #tpu.memory_space<hbm>> -> memref<64x512xf32, #tpu.memory_space<hbm>>
      tpu.wait_dma2 semaphore(%arg8 : memref<!tpu.dma_semaphore, #tpu.memory_space<semaphore_mem>>) src(%dma_wait3A_192 : memref<64x512xf32, #tpu.memory_space<hbm>>) dst(%dma_wait3A_189 : memref<4x64x128xf32, #tpu.memory_space<vmem>>)
      %mul3A_193 = arith.constant 8 : i32
      %mul3A_194 = arith.muli %scan3A_179, %mul3A_193 : i32
      %add3A_195 = arith.constant 0 : i32
      %add3A_196 = arith.addi %mul3A_194, %add3A_195 : i32
      %get3A_197 = arith.index_cast %add3A_196 : i32 to index
      %get3A_198 = tpu.vector_load %arg5[%get3A_197] {strides = array<i32>} : memref<528xi32, #tpu.memory_space<vmem>>, vector<16xi32>,
      %slice3A_199 = vector.extract_strided_slice %get3A_198 {offsets = [0], sizes = [1], strides = [1]} : vector<16xi32> to vector<1xi32>
      %squeeze3A_200 = vector.extract %slice3A_199[0] : i32 from vector<1xi32>
      %and3A = arith.constant 127 : i32
      %and3A_201 = arith.andi %squeeze3A_200, %and3A : i32
      %broadcast_in_dim3A = vector.broadcast %and3A_201 : i32 to vector<16xi32>
      %and3A_202 = arith.constant 255 : i32
      %and3A_203 = arith.andi %add3A_196, %and3A_202 : i32
      %broadcast_in_dim3A_204 = vector.broadcast %and3A_203 : i32 to vector<16xi32>
      %add3A_205 = arith.constant 0 : i32
      %add3A_206 = vector.broadcast %add3A_205 : i32 to vector<16xi32>
      %add3A_207 = arith.addi %add3A_206, %iota3A : vector<16xi32>
      %gather3A = arith.constant 0 : i32
      %gather3A_208 = arith.constant 0 : i32
      %gather3A_209 = arith.constant 0 : i32
      %gather3A_210 = tpu.memref_slice %arg6[%gather3A, %gather3A_208, %gather3A_209] : memref<8x64x128xf32, #tpu.memory_space<vmem>> -> memref<1x64x128xf32, #tpu.memory_space<vmem>>
      %gather3A_211 = tpu.memref_squeeze %gather3A_210 : memref<1x64x128xf32, #tpu.memory_space<vmem>> -> memref<64x128xf32, #tpu.memory_space<vmem>>
      %gather3A_212 = tpu.vector_load_idx %gather3A_211[%add3A_207, %broadcast_in_dim3A] : memref<64x128xf32, #tpu.memory_space<vmem>>[vector<16xi32>, vector<16xi32>], vector<16xf32>,
      tpu.vector_store_idx %arg7[%broadcast_in_dim3A_204, %add3A_207], %gather3A_212 : memref<256x64xf32, #tpu.memory_space<vmem>>[vector<16xi32>, vector<16xi32>], vector<16xf32>,
      %add3A_213 = arith.constant 16 : i32
      %add3A_214 = vector.broadcast %add3A_213 : i32 to vector<16xi32>
      %add3A_215 = arith.addi %add3A_214, %iota3A : vector<16xi32>
      %gather3A_216 = arith.constant 0 : i32
      %gather3A_217 = arith.constant 0 : i32
      %gather3A_218 = arith.constant 0 : i32
      %gather3A_219 = tpu.memref_slice %arg6[%gather3A_216, %gather3A_217, %gather3A_218] : memref<8x64x128xf32, #tpu.memory_space<vmem>> -> memref<1x64x128xf32, #tpu.memory_space<vmem>>
      %gather3A_220 = tpu.memref_squeeze %gather3A_219 : memref<1x64x128xf32, #tpu.memory_space<vmem>> -> memref<64x128xf32, #tpu.memory_space<vmem>>
      %gather3A_221 = tpu.vector_load_idx %gather3A_220[%add3A_215, %broadcast_in_dim3A] : memref<64x128xf32, #tpu.memory_space<vmem>>[vector<16xi32>, vector<16xi32>], vector<16xf32>,
      tpu.vector_store_idx %arg7[%broadcast_in_dim3A_204, %add3A_215], %gather3A_221 : memref<256x64xf32, #tpu.memory_space<vmem>>[vector<16xi32>, vector<16xi32>], vector<16xf32>,
      %add3A_222 = arith.constant 32 : i32
      %add3A_223 = vector.broadcast %add3A_222 : i32 to vector<16xi32>
      %add3A_224 = arith.addi %add3A_223, %iota3A : vector<16xi32>
      %gather3A_225 = arith.constant 0 : i32
      %gather3A_226 = arith.constant 0 : i32
      %gather3A_227 = arith.constant 0 : i32
      %gather3A_228 = tpu.memref_slice %arg6[%gather3A_225, %gather3A_226, %gather3A_227] : memref<8x64x128xf32, #tpu.memory_space<vmem>> -> memref<1x64x128xf32, #tpu.memory_space<vmem>>
      %gather3A_229 = tpu.memref_squeeze %gather3A_228 : memref<1x64x128xf32, #tpu.memory_space<vmem>> -> memref<64x128xf32, #tpu.memory_space<vmem>>
      %gather3A_230 = tpu.vector_load_idx %gather3A_229[%add3A_224, %broadcast_in_dim3A] : memref<64x128xf32, #tpu.memory_space<vmem>>[vector<16xi32>, vector<16xi32>], vector<16xf32>,
      tpu.vector_store_idx %arg7[%broadcast_in_dim3A_204, %add3A_224], %gather3A_230 : memref<256x64xf32, #tpu.memory_space<vmem>>[vector<16xi32>, vector<16xi32>], vector<16xf32>,
      %add3A_231 = arith.constant 48 : i32
      %add3A_232 = vector.broadcast %add3A_231 : i32 to vector<16xi32>
      %add3A_233 = arith.addi %add3A_232, %iota3A : vector<16xi32>
      %gather3A_234 = arith.constant 0 : i32
      %gather3A_235 = arith.constant 0 : i32
      %gather3A_236 = arith.constant 0 : i32
      %gather3A_237 = tpu.memref_slice %arg6[%gather3A_234, %gather3A_235, %gather3A_236] : memref<8x64x128xf32, #tpu.memory_space<vmem>> -> memref<1x64x128xf32, #tpu.memory_space<vmem>>
      %gather3A_238 = tpu.memref_squeeze %gather3A_237 : memref<1x64x128xf32, #tpu.memory_space<vmem>> -> memref<64x128xf32, #tpu.memory_space<vmem>>
      %gather3A_239 = tpu.vector_load_idx %gather3A_238[%add3A_233, %broadcast_in_dim3A] : memref<64x128xf32, #tpu.memory_space<vmem>>[vector<16xi32>, vector<16xi32>], vector<16xf32>,
      tpu.vector_store_idx %arg7[%broadcast_in_dim3A_204, %add3A_233], %gather3A_239 : memref<256x64xf32, #tpu.memory_space<vmem>>[vector<16xi32>, vector<16xi32>], vector<16xf32>,
      %lt3A = arith.constant 504 : i32
      %lt3A_240 = arith.cmpi slt, %add3A_196, %lt3A : i32
      %convert_element_type3A = arith.extui %lt3A_240 : i1 to i32
      %cond3A = arith.constant 0 : i32
      %cond3A_241 = arith.cmpi ne, %convert_element_type3A, %cond3A : i32
      scf.if %cond3A_241 {
        %add3A_641 = arith.constant 8 : i32
        %add3A_642 = arith.addi %add3A_196, %add3A_641 : i32
        %get3A_643 = arith.index_cast %add3A_642 : i32 to index
        %get3A_644 = tpu.vector_load %arg5[%get3A_643] {strides = array<i32>} : memref<528xi32, #tpu.memory_space<vmem>>, vector<16xi32>,
        %slice3A_645 = vector.extract_strided_slice %get3A_644 {offsets = [0], sizes = [1], strides = [1]} : vector<16xi32> to vector<1xi32>
        %squeeze3A_646 = vector.extract %slice3A_645[0] : i32 from vector<1xi32>
        %shift_right_arithmetic3A_647 = arith.constant 7 : i32
        %shift_right_arithmetic3A_648 = arith.shrsi %squeeze3A_646, %shift_right_arithmetic3A_647 : i32
        %mul3A_649 = arith.constant 128 : i32
        %mul3A_650 = arith.muli %shift_right_arithmetic3A_648, %mul3A_649 : i32
        %dma_start3A_651 = arith.constant 0 : i32
        %dma_start3A_652 = arith.constant 0 : i32
        %dma_start3A_653 = arith.constant 0 : i32
        %dma_start3A_654 = tpu.memref_slice %arg6[%dma_start3A_651, %dma_start3A_652, %dma_start3A_653] : memref<8x64x128xf32, #tpu.memory_space<vmem>> -> memref<1x64x128xf32, #tpu.memory_space<vmem>>
        %dma_start3A_655 = tpu.memref_squeeze %dma_start3A_654 : memref<1x64x128xf32, #tpu.memory_space<vmem>> -> memref<64x128xf32, #tpu.memory_space<vmem>>
        %dma_start3A_656 = arith.constant 0 : i32
        %dma_start3A_657 = tpu.memref_slice %arg2[%dma_start3A_656, %mul3A_650] : memref<64x1000000xf32, #tpu.memory_space<hbm>> -> memref<64x128xf32, #tpu.memory_space<hbm>>
        %dma_start3A_658 = arith.constant 0 : i32
        %dma_start3A_659 = arith.constant 0 : i32
        %dma_start3A_660 = tpu.memref_slice %arg6[%dma_start3A_651, %dma_start3A_658, %dma_start3A_659] : memref<8x64x128xf32, #tpu.memory_space<vmem>> -> memref<1x64x128xf32, #tpu.memory_space<vmem>>
        %dma_start3A_661 = tpu.memref_squeeze %dma_start3A_660 : memref<1x64x128xf32, #tpu.memory_space<vmem>> -> memref<64x128xf32, #tpu.memory_space<vmem>>
        %dma_start3A_662 = arith.constant 0 : i32
        %dma_start3A_663 = tpu.memref_slice %arg2[%dma_start3A_662, %mul3A_650] : memref<64x1000000xf32, #tpu.memory_space<hbm>> -> memref<64x128xf32, #tpu.memory_space<hbm>>
        tpu.enqueue_dma source(%dma_start3A_663 : memref<64x128xf32, #tpu.memory_space<hbm>>) target(%dma_start3A_661 : memref<64x128xf32, #tpu.memory_space<vmem>>) target_semaphore(%arg8 : memref<!tpu.dma_semaphore, #tpu.memory_space<semaphore_mem>>)
      } else {
      }
      %mul3A_242 = arith.constant 8 : i32
      %mul3A_243 = arith.muli %scan3A_179, %mul3A_242 : i32
      %add3A_244 = arith.constant 1 : i32
      %add3A_245 = arith.addi %mul3A_243, %add3A_244 : i32
      %get3A_246 = arith.index_cast %add3A_245 : i32 to index
      %get3A_247 = tpu.vector_load %arg5[%get3A_246] {strides = array<i32>} : memref<528xi32, #tpu.memory_space<vmem>>, vector<16xi32>,
      %slice3A_248 = vector.extract_strided_slice %get3A_247 {offsets = [0], sizes = [1], strides = [1]} : vector<16xi32> to vector<1xi32>
      %squeeze3A_249 = vector.extract %slice3A_248[0] : i32 from vector<1xi32>
      %and3A_250 = arith.constant 127 : i32
      %and3A_251 = arith.andi %squeeze3A_249, %and3A_250 : i32
      %broadcast_in_dim3A_252 = vector.broadcast %and3A_251 : i32 to vector<16xi32>
      %and3A_253 = arith.constant 255 : i32
      %and3A_254 = arith.andi %add3A_245, %and3A_253 : i32
      %broadcast_in_dim3A_255 = vector.broadcast %and3A_254 : i32 to vector<16xi32>
      %add3A_256 = arith.constant 0 : i32
      %add3A_257 = vector.broadcast %add3A_256 : i32 to vector<16xi32>
      %add3A_258 = arith.addi %add3A_257, %iota3A : vector<16xi32>
      %gather3A_259 = arith.constant 1 : i32
      %gather3A_260 = arith.constant 0 : i32
      %gather3A_261 = arith.constant 0 : i32
      %gather3A_262 = tpu.memref_slice %arg6[%gather3A_259, %gather3A_260, %gather3A_261] : memref<8x64x128xf32, #tpu.memory_space<vmem>> -> memref<1x64x128xf32, #tpu.memory_space<vmem>>
      %gather3A_263 = tpu.memref_squeeze %gather3A_262 : memref<1x64x128xf32, #tpu.memory_space<vmem>> -> memref<64x128xf32, #tpu.memory_space<vmem>>
      %gather3A_264 = tpu.vector_load_idx %gather3A_263[%add3A_258, %broadcast_in_dim3A_252] : memref<64x128xf32, #tpu.memory_space<vmem>>[vector<16xi32>, vector<16xi32>], vector<16xf32>,
      tpu.vector_store_idx %arg7[%broadcast_in_dim3A_255, %add3A_258], %gather3A_264 : memref<256x64xf32, #tpu.memory_space<vmem>>[vector<16xi32>, vector<16xi32>], vector<16xf32>,
      %add3A_265 = arith.constant 16 : i32
      %add3A_266 = vector.broadcast %add3A_265 : i32 to vector<16xi32>
      %add3A_267 = arith.addi %add3A_266, %iota3A : vector<16xi32>
      %gather3A_268 = arith.constant 1 : i32
      %gather3A_269 = arith.constant 0 : i32
      %gather3A_270 = arith.constant 0 : i32
      %gather3A_271 = tpu.memref_slice %arg6[%gather3A_268, %gather3A_269, %gather3A_270] : memref<8x64x128xf32, #tpu.memory_space<vmem>> -> memref<1x64x128xf32, #tpu.memory_space<vmem>>
      %gather3A_272 = tpu.memref_squeeze %gather3A_271 : memref<1x64x128xf32, #tpu.memory_space<vmem>> -> memref<64x128xf32, #tpu.memory_space<vmem>>
      %gather3A_273 = tpu.vector_load_idx %gather3A_272[%add3A_267, %broadcast_in_dim3A_252] : memref<64x128xf32, #tpu.memory_space<vmem>>[vector<16xi32>, vector<16xi32>], vector<16xf32>,
      tpu.vector_store_idx %arg7[%broadcast_in_dim3A_255, %add3A_267], %gather3A_273 : memref<256x64xf32, #tpu.memory_space<vmem>>[vector<16xi32>, vector<16xi32>], vector<16xf32>,
      %add3A_274 = arith.constant 32 : i32
      %add3A_275 = vector.broadcast %add3A_274 : i32 to vector<16xi32>
      %add3A_276 = arith.addi %add3A_275, %iota3A : vector<16xi32>
      %gather3A_277 = arith.constant 1 : i32
      %gather3A_278 = arith.constant 0 : i32
      %gather3A_279 = arith.constant 0 : i32
      %gather3A_280 = tpu.memref_slice %arg6[%gather3A_277, %gather3A_278, %gather3A_279] : memref<8x64x128xf32, #tpu.memory_space<vmem>> -> memref<1x64x128xf32, #tpu.memory_space<vmem>>
      %gather3A_281 = tpu.memref_squeeze %gather3A_280 : memref<1x64x128xf32, #tpu.memory_space<vmem>> -> memref<64x128xf32, #tpu.memory_space<vmem>>
      %gather3A_282 = tpu.vector_load_idx %gather3A_281[%add3A_276, %broadcast_in_dim3A_252] : memref<64x128xf32, #tpu.memory_space<vmem>>[vector<16xi32>, vector<16xi32>], vector<16xf32>,
      tpu.vector_store_idx %arg7[%broadcast_in_dim3A_255, %add3A_276], %gather3A_282 : memref<256x64xf32, #tpu.memory_space<vmem>>[vector<16xi32>, vector<16xi32>], vector<16xf32>,
      %add3A_283 = arith.constant 48 : i32
      %add3A_284 = vector.broadcast %add3A_283 : i32 to vector<16xi32>
      %add3A_285 = arith.addi %add3A_284, %iota3A : vector<16xi32>
      %gather3A_286 = arith.constant 1 : i32
      %gather3A_287 = arith.constant 0 : i32
      %gather3A_288 = arith.constant 0 : i32
      %gather3A_289 = tpu.memref_slice %arg6[%gather3A_286, %gather3A_287, %gather3A_288] : memref<8x64x128xf32, #tpu.memory_space<vmem>> -> memref<1x64x128xf32, #tpu.memory_space<vmem>>
      %gather3A_290 = tpu.memref_squeeze %gather3A_289 : memref<1x64x128xf32, #tpu.memory_space<vmem>> -> memref<64x128xf32, #tpu.memory_space<vmem>>
      %gather3A_291 = tpu.vector_load_idx %gather3A_290[%add3A_285, %broadcast_in_dim3A_252] : memref<64x128xf32, #tpu.memory_space<vmem>>[vector<16xi32>, vector<16xi32>], vector<16xf32>,
      tpu.vector_store_idx %arg7[%broadcast_in_dim3A_255, %add3A_285], %gather3A_291 : memref<256x64xf32, #tpu.memory_space<vmem>>[vector<16xi32>, vector<16xi32>], vector<16xf32>,
      %lt3A_292 = arith.constant 504 : i32
      %lt3A_293 = arith.cmpi slt, %add3A_245, %lt3A_292 : i32
      %convert_element_type3A_294 = arith.extui %lt3A_293 : i1 to i32
      %cond3A_295 = arith.constant 0 : i32
      %cond3A_296 = arith.cmpi ne, %convert_element_type3A_294, %cond3A_295 : i32
      scf.if %cond3A_296 {
        %add3A_641 = arith.constant 8 : i32
        %add3A_642 = arith.addi %add3A_245, %add3A_641 : i32
        %get3A_643 = arith.index_cast %add3A_642 : i32 to index
        %get3A_644 = tpu.vector_load %arg5[%get3A_643] {strides = array<i32>} : memref<528xi32, #tpu.memory_space<vmem>>, vector<16xi32>,
        %slice3A_645 = vector.extract_strided_slice %get3A_644 {offsets = [0], sizes = [1], strides = [1]} : vector<16xi32> to vector<1xi32>
        %squeeze3A_646 = vector.extract %slice3A_645[0] : i32 from vector<1xi32>
        %shift_right_arithmetic3A_647 = arith.constant 7 : i32
        %shift_right_arithmetic3A_648 = arith.shrsi %squeeze3A_646, %shift_right_arithmetic3A_647 : i32
        %mul3A_649 = arith.constant 128 : i32
        %mul3A_650 = arith.muli %shift_right_arithmetic3A_648, %mul3A_649 : i32
        %dma_start3A_651 = arith.constant 1 : i32
        %dma_start3A_652 = arith.constant 0 : i32
        %dma_start3A_653 = arith.constant 0 : i32
        %dma_start3A_654 = tpu.memref_slice %arg6[%dma_start3A_651, %dma_start3A_652, %dma_start3A_653] : memref<8x64x128xf32, #tpu.memory_space<vmem>> -> memref<1x64x128xf32, #tpu.memory_space<vmem>>
        %dma_start3A_655 = tpu.memref_squeeze %dma_start3A_654 : memref<1x64x128xf32, #tpu.memory_space<vmem>> -> memref<64x128xf32, #tpu.memory_space<vmem>>
        %dma_start3A_656 = arith.constant 0 : i32
        %dma_start3A_657 = tpu.memref_slice %arg2[%dma_start3A_656, %mul3A_650] : memref<64x1000000xf32, #tpu.memory_space<hbm>> -> memref<64x128xf32, #tpu.memory_space<hbm>>
        %dma_start3A_658 = arith.constant 0 : i32
        %dma_start3A_659 = arith.constant 0 : i32
        %dma_start3A_660 = tpu.memref_slice %arg6[%dma_start3A_651, %dma_start3A_658, %dma_start3A_659] : memref<8x64x128xf32, #tpu.memory_space<vmem>> -> memref<1x64x128xf32, #tpu.memory_space<vmem>>
        %dma_start3A_661 = tpu.memref_squeeze %dma_start3A_660 : memref<1x64x128xf32, #tpu.memory_space<vmem>> -> memref<64x128xf32, #tpu.memory_space<vmem>>
        %dma_start3A_662 = arith.constant 0 : i32
        %dma_start3A_663 = tpu.memref_slice %arg2[%dma_start3A_662, %mul3A_650] : memref<64x1000000xf32, #tpu.memory_space<hbm>> -> memref<64x128xf32, #tpu.memory_space<hbm>>
        tpu.enqueue_dma source(%dma_start3A_663 : memref<64x128xf32, #tpu.memory_space<hbm>>) target(%dma_start3A_661 : memref<64x128xf32, #tpu.memory_space<vmem>>) target_semaphore(%arg8 : memref<!tpu.dma_semaphore, #tpu.memory_space<semaphore_mem>>)
      } else {
      }
      %mul3A_297 = arith.constant 8 : i32
      %mul3A_298 = arith.muli %scan3A_179, %mul3A_297 : i32
      %add3A_299 = arith.constant 2 : i32
      %add3A_300 = arith.addi %mul3A_298, %add3A_299 : i32
      %get3A_301 = arith.index_cast %add3A_300 : i32 to index
      %get3A_302 = tpu.vector_load %arg5[%get3A_301] {strides = array<i32>} : memref<528xi32, #tpu.memory_space<vmem>>, vector<16xi32>,
      %slice3A_303 = vector.extract_strided_slice %get3A_302 {offsets = [0], sizes = [1], strides = [1]} : vector<16xi32> to vector<1xi32>
      %squeeze3A_304 = vector.extract %slice3A_303[0] : i32 from vector<1xi32>
      %and3A_305 = arith.constant 127 : i32
      %and3A_306 = arith.andi %squeeze3A_304, %and3A_305 : i32
      %broadcast_in_dim3A_307 = vector.broadcast %and3A_306 : i32 to vector<16xi32>
      %and3A_308 = arith.constant 255 : i32
      %and3A_309 = arith.andi %add3A_300, %and3A_308 : i32
      %broadcast_in_dim3A_310 = vector.broadcast %and3A_309 : i32 to vector<16xi32>
      %add3A_311 = arith.constant 0 : i32
      %add3A_312 = vector.broadcast %add3A_311 : i32 to vector<16xi32>
      %add3A_313 = arith.addi %add3A_312, %iota3A : vector<16xi32>
      %gather3A_314 = arith.constant 2 : i32
      %gather3A_315 = arith.constant 0 : i32
      %gather3A_316 = arith.constant 0 : i32
      %gather3A_317 = tpu.memref_slice %arg6[%gather3A_314, %gather3A_315, %gather3A_316] : memref<8x64x128xf32, #tpu.memory_space<vmem>> -> memref<1x64x128xf32, #tpu.memory_space<vmem>>
      %gather3A_318 = tpu.memref_squeeze %gather3A_317 : memref<1x64x128xf32, #tpu.memory_space<vmem>> -> memref<64x128xf32, #tpu.memory_space<vmem>>
      %gather3A_319 = tpu.vector_load_idx %gather3A_318[%add3A_313, %broadcast_in_dim3A_307] : memref<64x128xf32, #tpu.memory_space<vmem>>[vector<16xi32>, vector<16xi32>], vector<16xf32>,
      tpu.vector_store_idx %arg7[%broadcast_in_dim3A_310, %add3A_313], %gather3A_319 : memref<256x64xf32, #tpu.memory_space<vmem>>[vector<16xi32>, vector<16xi32>], vector<16xf32>,
      %add3A_320 = arith.constant 16 : i32
      %add3A_321 = vector.broadcast %add3A_320 : i32 to vector<16xi32>
      %add3A_322 = arith.addi %add3A_321, %iota3A : vector<16xi32>
      %gather3A_323 = arith.constant 2 : i32
      %gather3A_324 = arith.constant 0 : i32
      %gather3A_325 = arith.constant 0 : i32
      %gather3A_326 = tpu.memref_slice %arg6[%gather3A_323, %gather3A_324, %gather3A_325] : memref<8x64x128xf32, #tpu.memory_space<vmem>> -> memref<1x64x128xf32, #tpu.memory_space<vmem>>
      %gather3A_327 = tpu.memref_squeeze %gather3A_326 : memref<1x64x128xf32, #tpu.memory_space<vmem>> -> memref<64x128xf32, #tpu.memory_space<vmem>>
      %gather3A_328 = tpu.vector_load_idx %gather3A_327[%add3A_322, %broadcast_in_dim3A_307] : memref<64x128xf32, #tpu.memory_space<vmem>>[vector<16xi32>, vector<16xi32>], vector<16xf32>,
      tpu.vector_store_idx %arg7[%broadcast_in_dim3A_310, %add3A_322], %gather3A_328 : memref<256x64xf32, #tpu.memory_space<vmem>>[vector<16xi32>, vector<16xi32>], vector<16xf32>,
      %add3A_329 = arith.constant 32 : i32
      %add3A_330 = vector.broadcast %add3A_329 : i32 to vector<16xi32>
      %add3A_331 = arith.addi %add3A_330, %iota3A : vector<16xi32>
      %gather3A_332 = arith.constant 2 : i32
      %gather3A_333 = arith.constant 0 : i32
      %gather3A_334 = arith.constant 0 : i32
      %gather3A_335 = tpu.memref_slice %arg6[%gather3A_332, %gather3A_333, %gather3A_334] : memref<8x64x128xf32, #tpu.memory_space<vmem>> -> memref<1x64x128xf32, #tpu.memory_space<vmem>>
      %gather3A_336 = tpu.memref_squeeze %gather3A_335 : memref<1x64x128xf32, #tpu.memory_space<vmem>> -> memref<64x128xf32, #tpu.memory_space<vmem>>
      %gather3A_337 = tpu.vector_load_idx %gather3A_336[%add3A_331, %broadcast_in_dim3A_307] : memref<64x128xf32, #tpu.memory_space<vmem>>[vector<16xi32>, vector<16xi32>], vector<16xf32>,
      tpu.vector_store_idx %arg7[%broadcast_in_dim3A_310, %add3A_331], %gather3A_337 : memref<256x64xf32, #tpu.memory_space<vmem>>[vector<16xi32>, vector<16xi32>], vector<16xf32>,
      %add3A_338 = arith.constant 48 : i32
      %add3A_339 = vector.broadcast %add3A_338 : i32 to vector<16xi32>
      %add3A_340 = arith.addi %add3A_339, %iota3A : vector<16xi32>
      %gather3A_341 = arith.constant 2 : i32
      %gather3A_342 = arith.constant 0 : i32
      %gather3A_343 = arith.constant 0 : i32
      %gather3A_344 = tpu.memref_slice %arg6[%gather3A_341, %gather3A_342, %gather3A_343] : memref<8x64x128xf32, #tpu.memory_space<vmem>> -> memref<1x64x128xf32, #tpu.memory_space<vmem>>
      %gather3A_345 = tpu.memref_squeeze %gather3A_344 : memref<1x64x128xf32, #tpu.memory_space<vmem>> -> memref<64x128xf32, #tpu.memory_space<vmem>>
      %gather3A_346 = tpu.vector_load_idx %gather3A_345[%add3A_340, %broadcast_in_dim3A_307] : memref<64x128xf32, #tpu.memory_space<vmem>>[vector<16xi32>, vector<16xi32>], vector<16xf32>,
      tpu.vector_store_idx %arg7[%broadcast_in_dim3A_310, %add3A_340], %gather3A_346 : memref<256x64xf32, #tpu.memory_space<vmem>>[vector<16xi32>, vector<16xi32>], vector<16xf32>,
      %lt3A_347 = arith.constant 504 : i32
      %lt3A_348 = arith.cmpi slt, %add3A_300, %lt3A_347 : i32
      %convert_element_type3A_349 = arith.extui %lt3A_348 : i1 to i32
      %cond3A_350 = arith.constant 0 : i32
      %cond3A_351 = arith.cmpi ne, %convert_element_type3A_349, %cond3A_350 : i32
      scf.if %cond3A_351 {
        %add3A_641 = arith.constant 8 : i32
        %add3A_642 = arith.addi %add3A_300, %add3A_641 : i32
        %get3A_643 = arith.index_cast %add3A_642 : i32 to index
        %get3A_644 = tpu.vector_load %arg5[%get3A_643] {strides = array<i32>} : memref<528xi32, #tpu.memory_space<vmem>>, vector<16xi32>,
        %slice3A_645 = vector.extract_strided_slice %get3A_644 {offsets = [0], sizes = [1], strides = [1]} : vector<16xi32> to vector<1xi32>
        %squeeze3A_646 = vector.extract %slice3A_645[0] : i32 from vector<1xi32>
        %shift_right_arithmetic3A_647 = arith.constant 7 : i32
        %shift_right_arithmetic3A_648 = arith.shrsi %squeeze3A_646, %shift_right_arithmetic3A_647 : i32
        %mul3A_649 = arith.constant 128 : i32
        %mul3A_650 = arith.muli %shift_right_arithmetic3A_648, %mul3A_649 : i32
        %dma_start3A_651 = arith.constant 2 : i32
        %dma_start3A_652 = arith.constant 0 : i32
        %dma_start3A_653 = arith.constant 0 : i32
        %dma_start3A_654 = tpu.memref_slice %arg6[%dma_start3A_651, %dma_start3A_652, %dma_start3A_653] : memref<8x64x128xf32, #tpu.memory_space<vmem>> -> memref<1x64x128xf32, #tpu.memory_space<vmem>>
        %dma_start3A_655 = tpu.memref_squeeze %dma_start3A_654 : memref<1x64x128xf32, #tpu.memory_space<vmem>> -> memref<64x128xf32, #tpu.memory_space<vmem>>
        %dma_start3A_656 = arith.constant 0 : i32
        %dma_start3A_657 = tpu.memref_slice %arg2[%dma_start3A_656, %mul3A_650] : memref<64x1000000xf32, #tpu.memory_space<hbm>> -> memref<64x128xf32, #tpu.memory_space<hbm>>
        %dma_start3A_658 = arith.constant 0 : i32
        %dma_start3A_659 = arith.constant 0 : i32
        %dma_start3A_660 = tpu.memref_slice %arg6[%dma_start3A_651, %dma_start3A_658, %dma_start3A_659] : memref<8x64x128xf32, #tpu.memory_space<vmem>> -> memref<1x64x128xf32, #tpu.memory_space<vmem>>
        %dma_start3A_661 = tpu.memref_squeeze %dma_start3A_660 : memref<1x64x128xf32, #tpu.memory_space<vmem>> -> memref<64x128xf32, #tpu.memory_space<vmem>>
        %dma_start3A_662 = arith.constant 0 : i32
        %dma_start3A_663 = tpu.memref_slice %arg2[%dma_start3A_662, %mul3A_650] : memref<64x1000000xf32, #tpu.memory_space<hbm>> -> memref<64x128xf32, #tpu.memory_space<hbm>>
        tpu.enqueue_dma source(%dma_start3A_663 : memref<64x128xf32, #tpu.memory_space<hbm>>) target(%dma_start3A_661 : memref<64x128xf32, #tpu.memory_space<vmem>>) target_semaphore(%arg8 : memref<!tpu.dma_semaphore, #tpu.memory_space<semaphore_mem>>)
      } else {
      }
      %mul3A_352 = arith.constant 8 : i32
      %mul3A_353 = arith.muli %scan3A_179, %mul3A_352 : i32
      %add3A_354 = arith.constant 3 : i32
      %add3A_355 = arith.addi %mul3A_353, %add3A_354 : i32
      %get3A_356 = arith.index_cast %add3A_355 : i32 to index
      %get3A_357 = tpu.vector_load %arg5[%get3A_356] {strides = array<i32>} : memref<528xi32, #tpu.memory_space<vmem>>, vector<16xi32>,
      %slice3A_358 = vector.extract_strided_slice %get3A_357 {offsets = [0], sizes = [1], strides = [1]} : vector<16xi32> to vector<1xi32>
      %squeeze3A_359 = vector.extract %slice3A_358[0] : i32 from vector<1xi32>
      %and3A_360 = arith.constant 127 : i32
      %and3A_361 = arith.andi %squeeze3A_359, %and3A_360 : i32
      %broadcast_in_dim3A_362 = vector.broadcast %and3A_361 : i32 to vector<16xi32>
      %and3A_363 = arith.constant 255 : i32
      %and3A_364 = arith.andi %add3A_355, %and3A_363 : i32
      %broadcast_in_dim3A_365 = vector.broadcast %and3A_364 : i32 to vector<16xi32>
      %add3A_366 = arith.constant 0 : i32
      %add3A_367 = vector.broadcast %add3A_366 : i32 to vector<16xi32>
      %add3A_368 = arith.addi %add3A_367, %iota3A : vector<16xi32>
      %gather3A_369 = arith.constant 3 : i32
      %gather3A_370 = arith.constant 0 : i32
      %gather3A_371 = arith.constant 0 : i32
      %gather3A_372 = tpu.memref_slice %arg6[%gather3A_369, %gather3A_370, %gather3A_371] : memref<8x64x128xf32, #tpu.memory_space<vmem>> -> memref<1x64x128xf32, #tpu.memory_space<vmem>>
      %gather3A_373 = tpu.memref_squeeze %gather3A_372 : memref<1x64x128xf32, #tpu.memory_space<vmem>> -> memref<64x128xf32, #tpu.memory_space<vmem>>
      %gather3A_374 = tpu.vector_load_idx %gather3A_373[%add3A_368, %broadcast_in_dim3A_362] : memref<64x128xf32, #tpu.memory_space<vmem>>[vector<16xi32>, vector<16xi32>], vector<16xf32>,
      tpu.vector_store_idx %arg7[%broadcast_in_dim3A_365, %add3A_368], %gather3A_374 : memref<256x64xf32, #tpu.memory_space<vmem>>[vector<16xi32>, vector<16xi32>], vector<16xf32>,
      %add3A_375 = arith.constant 16 : i32
      %add3A_376 = vector.broadcast %add3A_375 : i32 to vector<16xi32>
      %add3A_377 = arith.addi %add3A_376, %iota3A : vector<16xi32>
      %gather3A_378 = arith.constant 3 : i32
      %gather3A_379 = arith.constant 0 : i32
      %gather3A_380 = arith.constant 0 : i32
      %gather3A_381 = tpu.memref_slice %arg6[%gather3A_378, %gather3A_379, %gather3A_380] : memref<8x64x128xf32, #tpu.memory_space<vmem>> -> memref<1x64x128xf32, #tpu.memory_space<vmem>>
      %gather3A_382 = tpu.memref_squeeze %gather3A_381 : memref<1x64x128xf32, #tpu.memory_space<vmem>> -> memref<64x128xf32, #tpu.memory_space<vmem>>
      %gather3A_383 = tpu.vector_load_idx %gather3A_382[%add3A_377, %broadcast_in_dim3A_362] : memref<64x128xf32, #tpu.memory_space<vmem>>[vector<16xi32>, vector<16xi32>], vector<16xf32>,
      tpu.vector_store_idx %arg7[%broadcast_in_dim3A_365, %add3A_377], %gather3A_383 : memref<256x64xf32, #tpu.memory_space<vmem>>[vector<16xi32>, vector<16xi32>], vector<16xf32>,
      %add3A_384 = arith.constant 32 : i32
      %add3A_385 = vector.broadcast %add3A_384 : i32 to vector<16xi32>
      %add3A_386 = arith.addi %add3A_385, %iota3A : vector<16xi32>
      %gather3A_387 = arith.constant 3 : i32
      %gather3A_388 = arith.constant 0 : i32
      %gather3A_389 = arith.constant 0 : i32
      %gather3A_390 = tpu.memref_slice %arg6[%gather3A_387, %gather3A_388, %gather3A_389] : memref<8x64x128xf32, #tpu.memory_space<vmem>> -> memref<1x64x128xf32, #tpu.memory_space<vmem>>
      %gather3A_391 = tpu.memref_squeeze %gather3A_390 : memref<1x64x128xf32, #tpu.memory_space<vmem>> -> memref<64x128xf32, #tpu.memory_space<vmem>>
      %gather3A_392 = tpu.vector_load_idx %gather3A_391[%add3A_386, %broadcast_in_dim3A_362] : memref<64x128xf32, #tpu.memory_space<vmem>>[vector<16xi32>, vector<16xi32>], vector<16xf32>,
      tpu.vector_store_idx %arg7[%broadcast_in_dim3A_365, %add3A_386], %gather3A_392 : memref<256x64xf32, #tpu.memory_space<vmem>>[vector<16xi32>, vector<16xi32>], vector<16xf32>,
      %add3A_393 = arith.constant 48 : i32
      %add3A_394 = vector.broadcast %add3A_393 : i32 to vector<16xi32>
      %add3A_395 = arith.addi %add3A_394, %iota3A : vector<16xi32>
      %gather3A_396 = arith.constant 3 : i32
      %gather3A_397 = arith.constant 0 : i32
      %gather3A_398 = arith.constant 0 : i32
      %gather3A_399 = tpu.memref_slice %arg6[%gather3A_396, %gather3A_397, %gather3A_398] : memref<8x64x128xf32, #tpu.memory_space<vmem>> -> memref<1x64x128xf32, #tpu.memory_space<vmem>>
      %gather3A_400 = tpu.memref_squeeze %gather3A_399 : memref<1x64x128xf32, #tpu.memory_space<vmem>> -> memref<64x128xf32, #tpu.memory_space<vmem>>
      %gather3A_401 = tpu.vector_load_idx %gather3A_400[%add3A_395, %broadcast_in_dim3A_362] : memref<64x128xf32, #tpu.memory_space<vmem>>[vector<16xi32>, vector<16xi32>], vector<16xf32>,
      tpu.vector_store_idx %arg7[%broadcast_in_dim3A_365, %add3A_395], %gather3A_401 : memref<256x64xf32, #tpu.memory_space<vmem>>[vector<16xi32>, vector<16xi32>], vector<16xf32>,
      %lt3A_402 = arith.constant 504 : i32
      %lt3A_403 = arith.cmpi slt, %add3A_355, %lt3A_402 : i32
      %convert_element_type3A_404 = arith.extui %lt3A_403 : i1 to i32
      %cond3A_405 = arith.constant 0 : i32
      %cond3A_406 = arith.cmpi ne, %convert_element_type3A_404, %cond3A_405 : i32
      scf.if %cond3A_406 {
        %add3A_641 = arith.constant 8 : i32
        %add3A_642 = arith.addi %add3A_355, %add3A_641 : i32
        %get3A_643 = arith.index_cast %add3A_642 : i32 to index
        %get3A_644 = tpu.vector_load %arg5[%get3A_643] {strides = array<i32>} : memref<528xi32, #tpu.memory_space<vmem>>, vector<16xi32>,
        %slice3A_645 = vector.extract_strided_slice %get3A_644 {offsets = [0], sizes = [1], strides = [1]} : vector<16xi32> to vector<1xi32>
        %squeeze3A_646 = vector.extract %slice3A_645[0] : i32 from vector<1xi32>
        %shift_right_arithmetic3A_647 = arith.constant 7 : i32
        %shift_right_arithmetic3A_648 = arith.shrsi %squeeze3A_646, %shift_right_arithmetic3A_647 : i32
        %mul3A_649 = arith.constant 128 : i32
        %mul3A_650 = arith.muli %shift_right_arithmetic3A_648, %mul3A_649 : i32
        %dma_start3A_651 = arith.constant 3 : i32
        %dma_start3A_652 = arith.constant 0 : i32
        %dma_start3A_653 = arith.constant 0 : i32
        %dma_start3A_654 = tpu.memref_slice %arg6[%dma_start3A_651, %dma_start3A_652, %dma_start3A_653] : memref<8x64x128xf32, #tpu.memory_space<vmem>> -> memref<1x64x128xf32, #tpu.memory_space<vmem>>
        %dma_start3A_655 = tpu.memref_squeeze %dma_start3A_654 : memref<1x64x128xf32, #tpu.memory_space<vmem>> -> memref<64x128xf32, #tpu.memory_space<vmem>>
        %dma_start3A_656 = arith.constant 0 : i32
        %dma_start3A_657 = tpu.memref_slice %arg2[%dma_start3A_656, %mul3A_650] : memref<64x1000000xf32, #tpu.memory_space<hbm>> -> memref<64x128xf32, #tpu.memory_space<hbm>>
        %dma_start3A_658 = arith.constant 0 : i32
        %dma_start3A_659 = arith.constant 0 : i32
        %dma_start3A_660 = tpu.memref_slice %arg6[%dma_start3A_651, %dma_start3A_658, %dma_start3A_659] : memref<8x64x128xf32, #tpu.memory_space<vmem>> -> memref<1x64x128xf32, #tpu.memory_space<vmem>>
        %dma_start3A_661 = tpu.memref_squeeze %dma_start3A_660 : memref<1x64x128xf32, #tpu.memory_space<vmem>> -> memref<64x128xf32, #tpu.memory_space<vmem>>
        %dma_start3A_662 = arith.constant 0 : i32
        %dma_start3A_663 = tpu.memref_slice %arg2[%dma_start3A_662, %mul3A_650] : memref<64x1000000xf32, #tpu.memory_space<hbm>> -> memref<64x128xf32, #tpu.memory_space<hbm>>
        tpu.enqueue_dma source(%dma_start3A_663 : memref<64x128xf32, #tpu.memory_space<hbm>>) target(%dma_start3A_661 : memref<64x128xf32, #tpu.memory_space<vmem>>) target_semaphore(%arg8 : memref<!tpu.dma_semaphore, #tpu.memory_space<semaphore_mem>>)
      } else {
      }
      %dma_wait3A_407 = arith.constant 4 : i32
      %dma_wait3A_408 = arith.constant 0 : i32
      %dma_wait3A_409 = arith.constant 0 : i32
      %dma_wait3A_410 = tpu.memref_slice %arg6[%dma_wait3A_407, %dma_wait3A_408, %dma_wait3A_409] : memref<8x64x128xf32, #tpu.memory_space<vmem>> -> memref<4x64x128xf32, #tpu.memory_space<vmem>>
      %dma_wait3A_411 = arith.constant 0 : i32
      %dma_wait3A_412 = arith.constant 0 : i32
      %dma_wait3A_413 = tpu.memref_slice %arg2[%dma_wait3A_411, %dma_wait3A_412] : memref<64x1000000xf32, #tpu.memory_space<hbm>> -> memref<64x512xf32, #tpu.memory_space<hbm>>
      %dma_wait3A_414 = arith.constant 4 : i32
      %dma_wait3A_415 = arith.constant 0 : i32
      %dma_wait3A_416 = arith.constant 0 : i32
      %dma_wait3A_417 = tpu.memref_slice %arg6[%dma_wait3A_414, %dma_wait3A_415, %dma_wait3A_416] : memref<8x64x128xf32, #tpu.memory_space<vmem>> -> memref<4x64x128xf32, #tpu.memory_space<vmem>>
      %dma_wait3A_418 = arith.constant 0 : i32
      %dma_wait3A_419 = arith.constant 0 : i32
      %dma_wait3A_420 = tpu.memref_slice %arg2[%dma_wait3A_418, %dma_wait3A_419] : memref<64x1000000xf32, #tpu.memory_space<hbm>> -> memref<64x512xf32, #tpu.memory_space<hbm>>
      tpu.wait_dma2 semaphore(%arg8 : memref<!tpu.dma_semaphore, #tpu.memory_space<semaphore_mem>>) src(%dma_wait3A_420 : memref<64x512xf32, #tpu.memory_space<hbm>>) dst(%dma_wait3A_417 : memref<4x64x128xf32, #tpu.memory_space<vmem>>)
      %mul3A_421 = arith.constant 8 : i32
      %mul3A_422 = arith.muli %scan3A_179, %mul3A_421 : i32
      %add3A_423 = arith.constant 4 : i32
      %add3A_424 = arith.addi %mul3A_422, %add3A_423 : i32
      %get3A_425 = arith.index_cast %add3A_424 : i32 to index
      %get3A_426 = tpu.vector_load %arg5[%get3A_425] {strides = array<i32>} : memref<528xi32, #tpu.memory_space<vmem>>, vector<16xi32>,
      %slice3A_427 = vector.extract_strided_slice %get3A_426 {offsets = [0], sizes = [1], strides = [1]} : vector<16xi32> to vector<1xi32>
      %squeeze3A_428 = vector.extract %slice3A_427[0] : i32 from vector<1xi32>
      %and3A_429 = arith.constant 127 : i32
      %and3A_430 = arith.andi %squeeze3A_428, %and3A_429 : i32
      %broadcast_in_dim3A_431 = vector.broadcast %and3A_430 : i32 to vector<16xi32>
      %and3A_432 = arith.constant 255 : i32
      %and3A_433 = arith.andi %add3A_424, %and3A_432 : i32
      %broadcast_in_dim3A_434 = vector.broadcast %and3A_433 : i32 to vector<16xi32>
      %add3A_435 = arith.constant 0 : i32
      %add3A_436 = vector.broadcast %add3A_435 : i32 to vector<16xi32>
      %add3A_437 = arith.addi %add3A_436, %iota3A : vector<16xi32>
      %gather3A_438 = arith.constant 4 : i32
      %gather3A_439 = arith.constant 0 : i32
      %gather3A_440 = arith.constant 0 : i32
      %gather3A_441 = tpu.memref_slice %arg6[%gather3A_438, %gather3A_439, %gather3A_440] : memref<8x64x128xf32, #tpu.memory_space<vmem>> -> memref<1x64x128xf32, #tpu.memory_space<vmem>>
      %gather3A_442 = tpu.memref_squeeze %gather3A_441 : memref<1x64x128xf32, #tpu.memory_space<vmem>> -> memref<64x128xf32, #tpu.memory_space<vmem>>
      %gather3A_443 = tpu.vector_load_idx %gather3A_442[%add3A_437, %broadcast_in_dim3A_431] : memref<64x128xf32, #tpu.memory_space<vmem>>[vector<16xi32>, vector<16xi32>], vector<16xf32>,
      tpu.vector_store_idx %arg7[%broadcast_in_dim3A_434, %add3A_437], %gather3A_443 : memref<256x64xf32, #tpu.memory_space<vmem>>[vector<16xi32>, vector<16xi32>], vector<16xf32>,
      %add3A_444 = arith.constant 16 : i32
      %add3A_445 = vector.broadcast %add3A_444 : i32 to vector<16xi32>
      %add3A_446 = arith.addi %add3A_445, %iota3A : vector<16xi32>
      %gather3A_447 = arith.constant 4 : i32
      %gather3A_448 = arith.constant 0 : i32
      %gather3A_449 = arith.constant 0 : i32
      %gather3A_450 = tpu.memref_slice %arg6[%gather3A_447, %gather3A_448, %gather3A_449] : memref<8x64x128xf32, #tpu.memory_space<vmem>> -> memref<1x64x128xf32, #tpu.memory_space<vmem>>
      %gather3A_451 = tpu.memref_squeeze %gather3A_450 : memref<1x64x128xf32, #tpu.memory_space<vmem>> -> memref<64x128xf32, #tpu.memory_space<vmem>>
      %gather3A_452 = tpu.vector_load_idx %gather3A_451[%add3A_446, %broadcast_in_dim3A_431] : memref<64x128xf32, #tpu.memory_space<vmem>>[vector<16xi32>, vector<16xi32>], vector<16xf32>,
      tpu.vector_store_idx %arg7[%broadcast_in_dim3A_434, %add3A_446], %gather3A_452 : memref<256x64xf32, #tpu.memory_space<vmem>>[vector<16xi32>, vector<16xi32>], vector<16xf32>,
      %add3A_453 = arith.constant 32 : i32
      %add3A_454 = vector.broadcast %add3A_453 : i32 to vector<16xi32>
      %add3A_455 = arith.addi %add3A_454, %iota3A : vector<16xi32>
      %gather3A_456 = arith.constant 4 : i32
      %gather3A_457 = arith.constant 0 : i32
      %gather3A_458 = arith.constant 0 : i32
      %gather3A_459 = tpu.memref_slice %arg6[%gather3A_456, %gather3A_457, %gather3A_458] : memref<8x64x128xf32, #tpu.memory_space<vmem>> -> memref<1x64x128xf32, #tpu.memory_space<vmem>>
      %gather3A_460 = tpu.memref_squeeze %gather3A_459 : memref<1x64x128xf32, #tpu.memory_space<vmem>> -> memref<64x128xf32, #tpu.memory_space<vmem>>
      %gather3A_461 = tpu.vector_load_idx %gather3A_460[%add3A_455, %broadcast_in_dim3A_431] : memref<64x128xf32, #tpu.memory_space<vmem>>[vector<16xi32>, vector<16xi32>], vector<16xf32>,
      tpu.vector_store_idx %arg7[%broadcast_in_dim3A_434, %add3A_455], %gather3A_461 : memref<256x64xf32, #tpu.memory_space<vmem>>[vector<16xi32>, vector<16xi32>], vector<16xf32>,
      %add3A_462 = arith.constant 48 : i32
      %add3A_463 = vector.broadcast %add3A_462 : i32 to vector<16xi32>
      %add3A_464 = arith.addi %add3A_463, %iota3A : vector<16xi32>
      %gather3A_465 = arith.constant 4 : i32
      %gather3A_466 = arith.constant 0 : i32
      %gather3A_467 = arith.constant 0 : i32
      %gather3A_468 = tpu.memref_slice %arg6[%gather3A_465, %gather3A_466, %gather3A_467] : memref<8x64x128xf32, #tpu.memory_space<vmem>> -> memref<1x64x128xf32, #tpu.memory_space<vmem>>
      %gather3A_469 = tpu.memref_squeeze %gather3A_468 : memref<1x64x128xf32, #tpu.memory_space<vmem>> -> memref<64x128xf32, #tpu.memory_space<vmem>>
      %gather3A_470 = tpu.vector_load_idx %gather3A_469[%add3A_464, %broadcast_in_dim3A_431] : memref<64x128xf32, #tpu.memory_space<vmem>>[vector<16xi32>, vector<16xi32>], vector<16xf32>,
      tpu.vector_store_idx %arg7[%broadcast_in_dim3A_434, %add3A_464], %gather3A_470 : memref<256x64xf32, #tpu.memory_space<vmem>>[vector<16xi32>, vector<16xi32>], vector<16xf32>,
      %lt3A_471 = arith.constant 504 : i32
      %lt3A_472 = arith.cmpi slt, %add3A_424, %lt3A_471 : i32
      %convert_element_type3A_473 = arith.extui %lt3A_472 : i1 to i32
      %cond3A_474 = arith.constant 0 : i32
      %cond3A_475 = arith.cmpi ne, %convert_element_type3A_473, %cond3A_474 : i32
      scf.if %cond3A_475 {
        %add3A_641 = arith.constant 8 : i32
        %add3A_642 = arith.addi %add3A_424, %add3A_641 : i32
        %get3A_643 = arith.index_cast %add3A_642 : i32 to index
        %get3A_644 = tpu.vector_load %arg5[%get3A_643] {strides = array<i32>} : memref<528xi32, #tpu.memory_space<vmem>>, vector<16xi32>,
        %slice3A_645 = vector.extract_strided_slice %get3A_644 {offsets = [0], sizes = [1], strides = [1]} : vector<16xi32> to vector<1xi32>
        %squeeze3A_646 = vector.extract %slice3A_645[0] : i32 from vector<1xi32>
        %shift_right_arithmetic3A_647 = arith.constant 7 : i32
        %shift_right_arithmetic3A_648 = arith.shrsi %squeeze3A_646, %shift_right_arithmetic3A_647 : i32
        %mul3A_649 = arith.constant 128 : i32
        %mul3A_650 = arith.muli %shift_right_arithmetic3A_648, %mul3A_649 : i32
        %dma_start3A_651 = arith.constant 4 : i32
        %dma_start3A_652 = arith.constant 0 : i32
        %dma_start3A_653 = arith.constant 0 : i32
        %dma_start3A_654 = tpu.memref_slice %arg6[%dma_start3A_651, %dma_start3A_652, %dma_start3A_653] : memref<8x64x128xf32, #tpu.memory_space<vmem>> -> memref<1x64x128xf32, #tpu.memory_space<vmem>>
        %dma_start3A_655 = tpu.memref_squeeze %dma_start3A_654 : memref<1x64x128xf32, #tpu.memory_space<vmem>> -> memref<64x128xf32, #tpu.memory_space<vmem>>
        %dma_start3A_656 = arith.constant 0 : i32
        %dma_start3A_657 = tpu.memref_slice %arg2[%dma_start3A_656, %mul3A_650] : memref<64x1000000xf32, #tpu.memory_space<hbm>> -> memref<64x128xf32, #tpu.memory_space<hbm>>
        %dma_start3A_658 = arith.constant 0 : i32
        %dma_start3A_659 = arith.constant 0 : i32
        %dma_start3A_660 = tpu.memref_slice %arg6[%dma_start3A_651, %dma_start3A_658, %dma_start3A_659] : memref<8x64x128xf32, #tpu.memory_space<vmem>> -> memref<1x64x128xf32, #tpu.memory_space<vmem>>
        %dma_start3A_661 = tpu.memref_squeeze %dma_start3A_660 : memref<1x64x128xf32, #tpu.memory_space<vmem>> -> memref<64x128xf32, #tpu.memory_space<vmem>>
        %dma_start3A_662 = arith.constant 0 : i32
        %dma_start3A_663 = tpu.memref_slice %arg2[%dma_start3A_662, %mul3A_650] : memref<64x1000000xf32, #tpu.memory_space<hbm>> -> memref<64x128xf32, #tpu.memory_space<hbm>>
        tpu.enqueue_dma source(%dma_start3A_663 : memref<64x128xf32, #tpu.memory_space<hbm>>) target(%dma_start3A_661 : memref<64x128xf32, #tpu.memory_space<vmem>>) target_semaphore(%arg8 : memref<!tpu.dma_semaphore, #tpu.memory_space<semaphore_mem>>)
      } else {
      }
      %mul3A_476 = arith.constant 8 : i32
      %mul3A_477 = arith.muli %scan3A_179, %mul3A_476 : i32
      %add3A_478 = arith.constant 5 : i32
      %add3A_479 = arith.addi %mul3A_477, %add3A_478 : i32
      %get3A_480 = arith.index_cast %add3A_479 : i32 to index
      %get3A_481 = tpu.vector_load %arg5[%get3A_480] {strides = array<i32>} : memref<528xi32, #tpu.memory_space<vmem>>, vector<16xi32>,
      %slice3A_482 = vector.extract_strided_slice %get3A_481 {offsets = [0], sizes = [1], strides = [1]} : vector<16xi32> to vector<1xi32>
      %squeeze3A_483 = vector.extract %slice3A_482[0] : i32 from vector<1xi32>
      %and3A_484 = arith.constant 127 : i32
      %and3A_485 = arith.andi %squeeze3A_483, %and3A_484 : i32
      %broadcast_in_dim3A_486 = vector.broadcast %and3A_485 : i32 to vector<16xi32>
      %and3A_487 = arith.constant 255 : i32
      %and3A_488 = arith.andi %add3A_479, %and3A_487 : i32
      %broadcast_in_dim3A_489 = vector.broadcast %and3A_488 : i32 to vector<16xi32>
      %add3A_490 = arith.constant 0 : i32
      %add3A_491 = vector.broadcast %add3A_490 : i32 to vector<16xi32>
      %add3A_492 = arith.addi %add3A_491, %iota3A : vector<16xi32>
      %gather3A_493 = arith.constant 5 : i32
      %gather3A_494 = arith.constant 0 : i32
      %gather3A_495 = arith.constant 0 : i32
      %gather3A_496 = tpu.memref_slice %arg6[%gather3A_493, %gather3A_494, %gather3A_495] : memref<8x64x128xf32, #tpu.memory_space<vmem>> -> memref<1x64x128xf32, #tpu.memory_space<vmem>>
      %gather3A_497 = tpu.memref_squeeze %gather3A_496 : memref<1x64x128xf32, #tpu.memory_space<vmem>> -> memref<64x128xf32, #tpu.memory_space<vmem>>
      %gather3A_498 = tpu.vector_load_idx %gather3A_497[%add3A_492, %broadcast_in_dim3A_486] : memref<64x128xf32, #tpu.memory_space<vmem>>[vector<16xi32>, vector<16xi32>], vector<16xf32>,
      tpu.vector_store_idx %arg7[%broadcast_in_dim3A_489, %add3A_492], %gather3A_498 : memref<256x64xf32, #tpu.memory_space<vmem>>[vector<16xi32>, vector<16xi32>], vector<16xf32>,
      %add3A_499 = arith.constant 16 : i32
      %add3A_500 = vector.broadcast %add3A_499 : i32 to vector<16xi32>
      %add3A_501 = arith.addi %add3A_500, %iota3A : vector<16xi32>
      %gather3A_502 = arith.constant 5 : i32
      %gather3A_503 = arith.constant 0 : i32
      %gather3A_504 = arith.constant 0 : i32
      %gather3A_505 = tpu.memref_slice %arg6[%gather3A_502, %gather3A_503, %gather3A_504] : memref<8x64x128xf32, #tpu.memory_space<vmem>> -> memref<1x64x128xf32, #tpu.memory_space<vmem>>
      %gather3A_506 = tpu.memref_squeeze %gather3A_505 : memref<1x64x128xf32, #tpu.memory_space<vmem>> -> memref<64x128xf32, #tpu.memory_space<vmem>>
      %gather3A_507 = tpu.vector_load_idx %gather3A_506[%add3A_501, %broadcast_in_dim3A_486] : memref<64x128xf32, #tpu.memory_space<vmem>>[vector<16xi32>, vector<16xi32>], vector<16xf32>,
      tpu.vector_store_idx %arg7[%broadcast_in_dim3A_489, %add3A_501], %gather3A_507 : memref<256x64xf32, #tpu.memory_space<vmem>>[vector<16xi32>, vector<16xi32>], vector<16xf32>,
      %add3A_508 = arith.constant 32 : i32
      %add3A_509 = vector.broadcast %add3A_508 : i32 to vector<16xi32>
      %add3A_510 = arith.addi %add3A_509, %iota3A : vector<16xi32>
      %gather3A_511 = arith.constant 5 : i32
      %gather3A_512 = arith.constant 0 : i32
      %gather3A_513 = arith.constant 0 : i32
      %gather3A_514 = tpu.memref_slice %arg6[%gather3A_511, %gather3A_512, %gather3A_513] : memref<8x64x128xf32, #tpu.memory_space<vmem>> -> memref<1x64x128xf32, #tpu.memory_space<vmem>>
      %gather3A_515 = tpu.memref_squeeze %gather3A_514 : memref<1x64x128xf32, #tpu.memory_space<vmem>> -> memref<64x128xf32, #tpu.memory_space<vmem>>
      %gather3A_516 = tpu.vector_load_idx %gather3A_515[%add3A_510, %broadcast_in_dim3A_486] : memref<64x128xf32, #tpu.memory_space<vmem>>[vector<16xi32>, vector<16xi32>], vector<16xf32>,
      tpu.vector_store_idx %arg7[%broadcast_in_dim3A_489, %add3A_510], %gather3A_516 : memref<256x64xf32, #tpu.memory_space<vmem>>[vector<16xi32>, vector<16xi32>], vector<16xf32>,
      %add3A_517 = arith.constant 48 : i32
      %add3A_518 = vector.broadcast %add3A_517 : i32 to vector<16xi32>
      %add3A_519 = arith.addi %add3A_518, %iota3A : vector<16xi32>
      %gather3A_520 = arith.constant 5 : i32
      %gather3A_521 = arith.constant 0 : i32
      %gather3A_522 = arith.constant 0 : i32
      %gather3A_523 = tpu.memref_slice %arg6[%gather3A_520, %gather3A_521, %gather3A_522] : memref<8x64x128xf32, #tpu.memory_space<vmem>> -> memref<1x64x128xf32, #tpu.memory_space<vmem>>
      %gather3A_524 = tpu.memref_squeeze %gather3A_523 : memref<1x64x128xf32, #tpu.memory_space<vmem>> -> memref<64x128xf32, #tpu.memory_space<vmem>>
      %gather3A_525 = tpu.vector_load_idx %gather3A_524[%add3A_519, %broadcast_in_dim3A_486] : memref<64x128xf32, #tpu.memory_space<vmem>>[vector<16xi32>, vector<16xi32>], vector<16xf32>,
      tpu.vector_store_idx %arg7[%broadcast_in_dim3A_489, %add3A_519], %gather3A_525 : memref<256x64xf32, #tpu.memory_space<vmem>>[vector<16xi32>, vector<16xi32>], vector<16xf32>,
      %lt3A_526 = arith.constant 504 : i32
      %lt3A_527 = arith.cmpi slt, %add3A_479, %lt3A_526 : i32
      %convert_element_type3A_528 = arith.extui %lt3A_527 : i1 to i32
      %cond3A_529 = arith.constant 0 : i32
      %cond3A_530 = arith.cmpi ne, %convert_element_type3A_528, %cond3A_529 : i32
      scf.if %cond3A_530 {
        %add3A_641 = arith.constant 8 : i32
        %add3A_642 = arith.addi %add3A_479, %add3A_641 : i32
        %get3A_643 = arith.index_cast %add3A_642 : i32 to index
        %get3A_644 = tpu.vector_load %arg5[%get3A_643] {strides = array<i32>} : memref<528xi32, #tpu.memory_space<vmem>>, vector<16xi32>,
        %slice3A_645 = vector.extract_strided_slice %get3A_644 {offsets = [0], sizes = [1], strides = [1]} : vector<16xi32> to vector<1xi32>
        %squeeze3A_646 = vector.extract %slice3A_645[0] : i32 from vector<1xi32>
        %shift_right_arithmetic3A_647 = arith.constant 7 : i32
        %shift_right_arithmetic3A_648 = arith.shrsi %squeeze3A_646, %shift_right_arithmetic3A_647 : i32
        %mul3A_649 = arith.constant 128 : i32
        %mul3A_650 = arith.muli %shift_right_arithmetic3A_648, %mul3A_649 : i32
        %dma_start3A_651 = arith.constant 5 : i32
        %dma_start3A_652 = arith.constant 0 : i32
        %dma_start3A_653 = arith.constant 0 : i32
        %dma_start3A_654 = tpu.memref_slice %arg6[%dma_start3A_651, %dma_start3A_652, %dma_start3A_653] : memref<8x64x128xf32, #tpu.memory_space<vmem>> -> memref<1x64x128xf32, #tpu.memory_space<vmem>>
        %dma_start3A_655 = tpu.memref_squeeze %dma_start3A_654 : memref<1x64x128xf32, #tpu.memory_space<vmem>> -> memref<64x128xf32, #tpu.memory_space<vmem>>
        %dma_start3A_656 = arith.constant 0 : i32
        %dma_start3A_657 = tpu.memref_slice %arg2[%dma_start3A_656, %mul3A_650] : memref<64x1000000xf32, #tpu.memory_space<hbm>> -> memref<64x128xf32, #tpu.memory_space<hbm>>
        %dma_start3A_658 = arith.constant 0 : i32
        %dma_start3A_659 = arith.constant 0 : i32
        %dma_start3A_660 = tpu.memref_slice %arg6[%dma_start3A_651, %dma_start3A_658, %dma_start3A_659] : memref<8x64x128xf32, #tpu.memory_space<vmem>> -> memref<1x64x128xf32, #tpu.memory_space<vmem>>
        %dma_start3A_661 = tpu.memref_squeeze %dma_start3A_660 : memref<1x64x128xf32, #tpu.memory_space<vmem>> -> memref<64x128xf32, #tpu.memory_space<vmem>>
        %dma_start3A_662 = arith.constant 0 : i32
        %dma_start3A_663 = tpu.memref_slice %arg2[%dma_start3A_662, %mul3A_650] : memref<64x1000000xf32, #tpu.memory_space<hbm>> -> memref<64x128xf32, #tpu.memory_space<hbm>>
        tpu.enqueue_dma source(%dma_start3A_663 : memref<64x128xf32, #tpu.memory_space<hbm>>) target(%dma_start3A_661 : memref<64x128xf32, #tpu.memory_space<vmem>>) target_semaphore(%arg8 : memref<!tpu.dma_semaphore, #tpu.memory_space<semaphore_mem>>)
      } else {
      }
      %mul3A_531 = arith.constant 8 : i32
      %mul3A_532 = arith.muli %scan3A_179, %mul3A_531 : i32
      %add3A_533 = arith.constant 6 : i32
      %add3A_534 = arith.addi %mul3A_532, %add3A_533 : i32
      %get3A_535 = arith.index_cast %add3A_534 : i32 to index
      %get3A_536 = tpu.vector_load %arg5[%get3A_535] {strides = array<i32>} : memref<528xi32, #tpu.memory_space<vmem>>, vector<16xi32>,
      %slice3A_537 = vector.extract_strided_slice %get3A_536 {offsets = [0], sizes = [1], strides = [1]} : vector<16xi32> to vector<1xi32>
      %squeeze3A_538 = vector.extract %slice3A_537[0] : i32 from vector<1xi32>
      %and3A_539 = arith.constant 127 : i32
      %and3A_540 = arith.andi %squeeze3A_538, %and3A_539 : i32
      %broadcast_in_dim3A_541 = vector.broadcast %and3A_540 : i32 to vector<16xi32>
      %and3A_542 = arith.constant 255 : i32
      %and3A_543 = arith.andi %add3A_534, %and3A_542 : i32
      %broadcast_in_dim3A_544 = vector.broadcast %and3A_543 : i32 to vector<16xi32>
      %add3A_545 = arith.constant 0 : i32
      %add3A_546 = vector.broadcast %add3A_545 : i32 to vector<16xi32>
      %add3A_547 = arith.addi %add3A_546, %iota3A : vector<16xi32>
      %gather3A_548 = arith.constant 6 : i32
      %gather3A_549 = arith.constant 0 : i32
      %gather3A_550 = arith.constant 0 : i32
      %gather3A_551 = tpu.memref_slice %arg6[%gather3A_548, %gather3A_549, %gather3A_550] : memref<8x64x128xf32, #tpu.memory_space<vmem>> -> memref<1x64x128xf32, #tpu.memory_space<vmem>>
      %gather3A_552 = tpu.memref_squeeze %gather3A_551 : memref<1x64x128xf32, #tpu.memory_space<vmem>> -> memref<64x128xf32, #tpu.memory_space<vmem>>
      %gather3A_553 = tpu.vector_load_idx %gather3A_552[%add3A_547, %broadcast_in_dim3A_541] : memref<64x128xf32, #tpu.memory_space<vmem>>[vector<16xi32>, vector<16xi32>], vector<16xf32>,
      tpu.vector_store_idx %arg7[%broadcast_in_dim3A_544, %add3A_547], %gather3A_553 : memref<256x64xf32, #tpu.memory_space<vmem>>[vector<16xi32>, vector<16xi32>], vector<16xf32>,
      %add3A_554 = arith.constant 16 : i32
      %add3A_555 = vector.broadcast %add3A_554 : i32 to vector<16xi32>
      %add3A_556 = arith.addi %add3A_555, %iota3A : vector<16xi32>
      %gather3A_557 = arith.constant 6 : i32
      %gather3A_558 = arith.constant 0 : i32
      %gather3A_559 = arith.constant 0 : i32
      %gather3A_560 = tpu.memref_slice %arg6[%gather3A_557, %gather3A_558, %gather3A_559] : memref<8x64x128xf32, #tpu.memory_space<vmem>> -> memref<1x64x128xf32, #tpu.memory_space<vmem>>
      %gather3A_561 = tpu.memref_squeeze %gather3A_560 : memref<1x64x128xf32, #tpu.memory_space<vmem>> -> memref<64x128xf32, #tpu.memory_space<vmem>>
      %gather3A_562 = tpu.vector_load_idx %gather3A_561[%add3A_556, %broadcast_in_dim3A_541] : memref<64x128xf32, #tpu.memory_space<vmem>>[vector<16xi32>, vector<16xi32>], vector<16xf32>,
      tpu.vector_store_idx %arg7[%broadcast_in_dim3A_544, %add3A_556], %gather3A_562 : memref<256x64xf32, #tpu.memory_space<vmem>>[vector<16xi32>, vector<16xi32>], vector<16xf32>,
      %add3A_563 = arith.constant 32 : i32
      %add3A_564 = vector.broadcast %add3A_563 : i32 to vector<16xi32>
      %add3A_565 = arith.addi %add3A_564, %iota3A : vector<16xi32>
      %gather3A_566 = arith.constant 6 : i32
      %gather3A_567 = arith.constant 0 : i32
      %gather3A_568 = arith.constant 0 : i32
      %gather3A_569 = tpu.memref_slice %arg6[%gather3A_566, %gather3A_567, %gather3A_568] : memref<8x64x128xf32, #tpu.memory_space<vmem>> -> memref<1x64x128xf32, #tpu.memory_space<vmem>>
      %gather3A_570 = tpu.memref_squeeze %gather3A_569 : memref<1x64x128xf32, #tpu.memory_space<vmem>> -> memref<64x128xf32, #tpu.memory_space<vmem>>
      %gather3A_571 = tpu.vector_load_idx %gather3A_570[%add3A_565, %broadcast_in_dim3A_541] : memref<64x128xf32, #tpu.memory_space<vmem>>[vector<16xi32>, vector<16xi32>], vector<16xf32>,
      tpu.vector_store_idx %arg7[%broadcast_in_dim3A_544, %add3A_565], %gather3A_571 : memref<256x64xf32, #tpu.memory_space<vmem>>[vector<16xi32>, vector<16xi32>], vector<16xf32>,
      %add3A_572 = arith.constant 48 : i32
      %add3A_573 = vector.broadcast %add3A_572 : i32 to vector<16xi32>
      %add3A_574 = arith.addi %add3A_573, %iota3A : vector<16xi32>
      %gather3A_575 = arith.constant 6 : i32
      %gather3A_576 = arith.constant 0 : i32
      %gather3A_577 = arith.constant 0 : i32
      %gather3A_578 = tpu.memref_slice %arg6[%gather3A_575, %gather3A_576, %gather3A_577] : memref<8x64x128xf32, #tpu.memory_space<vmem>> -> memref<1x64x128xf32, #tpu.memory_space<vmem>>
      %gather3A_579 = tpu.memref_squeeze %gather3A_578 : memref<1x64x128xf32, #tpu.memory_space<vmem>> -> memref<64x128xf32, #tpu.memory_space<vmem>>
      %gather3A_580 = tpu.vector_load_idx %gather3A_579[%add3A_574, %broadcast_in_dim3A_541] : memref<64x128xf32, #tpu.memory_space<vmem>>[vector<16xi32>, vector<16xi32>], vector<16xf32>,
      tpu.vector_store_idx %arg7[%broadcast_in_dim3A_544, %add3A_574], %gather3A_580 : memref<256x64xf32, #tpu.memory_space<vmem>>[vector<16xi32>, vector<16xi32>], vector<16xf32>,
      %lt3A_581 = arith.constant 504 : i32
      %lt3A_582 = arith.cmpi slt, %add3A_534, %lt3A_581 : i32
      %convert_element_type3A_583 = arith.extui %lt3A_582 : i1 to i32
      %cond3A_584 = arith.constant 0 : i32
      %cond3A_585 = arith.cmpi ne, %convert_element_type3A_583, %cond3A_584 : i32
      scf.if %cond3A_585 {
        %add3A_641 = arith.constant 8 : i32
        %add3A_642 = arith.addi %add3A_534, %add3A_641 : i32
        %get3A_643 = arith.index_cast %add3A_642 : i32 to index
        %get3A_644 = tpu.vector_load %arg5[%get3A_643] {strides = array<i32>} : memref<528xi32, #tpu.memory_space<vmem>>, vector<16xi32>,
        %slice3A_645 = vector.extract_strided_slice %get3A_644 {offsets = [0], sizes = [1], strides = [1]} : vector<16xi32> to vector<1xi32>
        %squeeze3A_646 = vector.extract %slice3A_645[0] : i32 from vector<1xi32>
        %shift_right_arithmetic3A_647 = arith.constant 7 : i32
        %shift_right_arithmetic3A_648 = arith.shrsi %squeeze3A_646, %shift_right_arithmetic3A_647 : i32
        %mul3A_649 = arith.constant 128 : i32
        %mul3A_650 = arith.muli %shift_right_arithmetic3A_648, %mul3A_649 : i32
        %dma_start3A_651 = arith.constant 6 : i32
        %dma_start3A_652 = arith.constant 0 : i32
        %dma_start3A_653 = arith.constant 0 : i32
        %dma_start3A_654 = tpu.memref_slice %arg6[%dma_start3A_651, %dma_start3A_652, %dma_start3A_653] : memref<8x64x128xf32, #tpu.memory_space<vmem>> -> memref<1x64x128xf32, #tpu.memory_space<vmem>>
        %dma_start3A_655 = tpu.memref_squeeze %dma_start3A_654 : memref<1x64x128xf32, #tpu.memory_space<vmem>> -> memref<64x128xf32, #tpu.memory_space<vmem>>
        %dma_start3A_656 = arith.constant 0 : i32
        %dma_start3A_657 = tpu.memref_slice %arg2[%dma_start3A_656, %mul3A_650] : memref<64x1000000xf32, #tpu.memory_space<hbm>> -> memref<64x128xf32, #tpu.memory_space<hbm>>
        %dma_start3A_658 = arith.constant 0 : i32
        %dma_start3A_659 = arith.constant 0 : i32
        %dma_start3A_660 = tpu.memref_slice %arg6[%dma_start3A_651, %dma_start3A_658, %dma_start3A_659] : memref<8x64x128xf32, #tpu.memory_space<vmem>> -> memref<1x64x128xf32, #tpu.memory_space<vmem>>
        %dma_start3A_661 = tpu.memref_squeeze %dma_start3A_660 : memref<1x64x128xf32, #tpu.memory_space<vmem>> -> memref<64x128xf32, #tpu.memory_space<vmem>>
        %dma_start3A_662 = arith.constant 0 : i32
        %dma_start3A_663 = tpu.memref_slice %arg2[%dma_start3A_662, %mul3A_650] : memref<64x1000000xf32, #tpu.memory_space<hbm>> -> memref<64x128xf32, #tpu.memory_space<hbm>>
        tpu.enqueue_dma source(%dma_start3A_663 : memref<64x128xf32, #tpu.memory_space<hbm>>) target(%dma_start3A_661 : memref<64x128xf32, #tpu.memory_space<vmem>>) target_semaphore(%arg8 : memref<!tpu.dma_semaphore, #tpu.memory_space<semaphore_mem>>)
      } else {
      }
      %mul3A_586 = arith.constant 8 : i32
      %mul3A_587 = arith.muli %scan3A_179, %mul3A_586 : i32
      %add3A_588 = arith.constant 7 : i32
      %add3A_589 = arith.addi %mul3A_587, %add3A_588 : i32
      %get3A_590 = arith.index_cast %add3A_589 : i32 to index
      %get3A_591 = tpu.vector_load %arg5[%get3A_590] {strides = array<i32>} : memref<528xi32, #tpu.memory_space<vmem>>, vector<16xi32>,
      %slice3A_592 = vector.extract_strided_slice %get3A_591 {offsets = [0], sizes = [1], strides = [1]} : vector<16xi32> to vector<1xi32>
      %squeeze3A_593 = vector.extract %slice3A_592[0] : i32 from vector<1xi32>
      %and3A_594 = arith.constant 127 : i32
      %and3A_595 = arith.andi %squeeze3A_593, %and3A_594 : i32
      %broadcast_in_dim3A_596 = vector.broadcast %and3A_595 : i32 to vector<16xi32>
      %and3A_597 = arith.constant 255 : i32
      %and3A_598 = arith.andi %add3A_589, %and3A_597 : i32
      %broadcast_in_dim3A_599 = vector.broadcast %and3A_598 : i32 to vector<16xi32>
      %add3A_600 = arith.constant 0 : i32
      %add3A_601 = vector.broadcast %add3A_600 : i32 to vector<16xi32>
      %add3A_602 = arith.addi %add3A_601, %iota3A : vector<16xi32>
      %gather3A_603 = arith.constant 7 : i32
      %gather3A_604 = arith.constant 0 : i32
      %gather3A_605 = arith.constant 0 : i32
      %gather3A_606 = tpu.memref_slice %arg6[%gather3A_603, %gather3A_604, %gather3A_605] : memref<8x64x128xf32, #tpu.memory_space<vmem>> -> memref<1x64x128xf32, #tpu.memory_space<vmem>>
      %gather3A_607 = tpu.memref_squeeze %gather3A_606 : memref<1x64x128xf32, #tpu.memory_space<vmem>> -> memref<64x128xf32, #tpu.memory_space<vmem>>
      %gather3A_608 = tpu.vector_load_idx %gather3A_607[%add3A_602, %broadcast_in_dim3A_596] : memref<64x128xf32, #tpu.memory_space<vmem>>[vector<16xi32>, vector<16xi32>], vector<16xf32>,
      tpu.vector_store_idx %arg7[%broadcast_in_dim3A_599, %add3A_602], %gather3A_608 : memref<256x64xf32, #tpu.memory_space<vmem>>[vector<16xi32>, vector<16xi32>], vector<16xf32>,
      %add3A_609 = arith.constant 16 : i32
      %add3A_610 = vector.broadcast %add3A_609 : i32 to vector<16xi32>
      %add3A_611 = arith.addi %add3A_610, %iota3A : vector<16xi32>
      %gather3A_612 = arith.constant 7 : i32
      %gather3A_613 = arith.constant 0 : i32
      %gather3A_614 = arith.constant 0 : i32
      %gather3A_615 = tpu.memref_slice %arg6[%gather3A_612, %gather3A_613, %gather3A_614] : memref<8x64x128xf32, #tpu.memory_space<vmem>> -> memref<1x64x128xf32, #tpu.memory_space<vmem>>
      %gather3A_616 = tpu.memref_squeeze %gather3A_615 : memref<1x64x128xf32, #tpu.memory_space<vmem>> -> memref<64x128xf32, #tpu.memory_space<vmem>>
      %gather3A_617 = tpu.vector_load_idx %gather3A_616[%add3A_611, %broadcast_in_dim3A_596] : memref<64x128xf32, #tpu.memory_space<vmem>>[vector<16xi32>, vector<16xi32>], vector<16xf32>,
      tpu.vector_store_idx %arg7[%broadcast_in_dim3A_599, %add3A_611], %gather3A_617 : memref<256x64xf32, #tpu.memory_space<vmem>>[vector<16xi32>, vector<16xi32>], vector<16xf32>,
      %add3A_618 = arith.constant 32 : i32
      %add3A_619 = vector.broadcast %add3A_618 : i32 to vector<16xi32>
      %add3A_620 = arith.addi %add3A_619, %iota3A : vector<16xi32>
      %gather3A_621 = arith.constant 7 : i32
      %gather3A_622 = arith.constant 0 : i32
      %gather3A_623 = arith.constant 0 : i32
      %gather3A_624 = tpu.memref_slice %arg6[%gather3A_621, %gather3A_622, %gather3A_623] : memref<8x64x128xf32, #tpu.memory_space<vmem>> -> memref<1x64x128xf32, #tpu.memory_space<vmem>>
      %gather3A_625 = tpu.memref_squeeze %gather3A_624 : memref<1x64x128xf32, #tpu.memory_space<vmem>> -> memref<64x128xf32, #tpu.memory_space<vmem>>
      %gather3A_626 = tpu.vector_load_idx %gather3A_625[%add3A_620, %broadcast_in_dim3A_596] : memref<64x128xf32, #tpu.memory_space<vmem>>[vector<16xi32>, vector<16xi32>], vector<16xf32>,
      tpu.vector_store_idx %arg7[%broadcast_in_dim3A_599, %add3A_620], %gather3A_626 : memref<256x64xf32, #tpu.memory_space<vmem>>[vector<16xi32>, vector<16xi32>], vector<16xf32>,
      %add3A_627 = arith.constant 48 : i32
      %add3A_628 = vector.broadcast %add3A_627 : i32 to vector<16xi32>
      %add3A_629 = arith.addi %add3A_628, %iota3A : vector<16xi32>
      %gather3A_630 = arith.constant 7 : i32
      %gather3A_631 = arith.constant 0 : i32
      %gather3A_632 = arith.constant 0 : i32
      %gather3A_633 = tpu.memref_slice %arg6[%gather3A_630, %gather3A_631, %gather3A_632] : memref<8x64x128xf32, #tpu.memory_space<vmem>> -> memref<1x64x128xf32, #tpu.memory_space<vmem>>
      %gather3A_634 = tpu.memref_squeeze %gather3A_633 : memref<1x64x128xf32, #tpu.memory_space<vmem>> -> memref<64x128xf32, #tpu.memory_space<vmem>>
      %gather3A_635 = tpu.vector_load_idx %gather3A_634[%add3A_629, %broadcast_in_dim3A_596] : memref<64x128xf32, #tpu.memory_space<vmem>>[vector<16xi32>, vector<16xi32>], vector<16xf32>,
      tpu.vector_store_idx %arg7[%broadcast_in_dim3A_599, %add3A_629], %gather3A_635 : memref<256x64xf32, #tpu.memory_space<vmem>>[vector<16xi32>, vector<16xi32>], vector<16xf32>,
      %lt3A_636 = arith.constant 504 : i32
      %lt3A_637 = arith.cmpi slt, %add3A_589, %lt3A_636 : i32
      %convert_element_type3A_638 = arith.extui %lt3A_637 : i1 to i32
      %cond3A_639 = arith.constant 0 : i32
      %cond3A_640 = arith.cmpi ne, %convert_element_type3A_638, %cond3A_639 : i32
      scf.if %cond3A_640 {
        %add3A_641 = arith.constant 8 : i32
        %add3A_642 = arith.addi %add3A_589, %add3A_641 : i32
        %get3A_643 = arith.index_cast %add3A_642 : i32 to index
        %get3A_644 = tpu.vector_load %arg5[%get3A_643] {strides = array<i32>} : memref<528xi32, #tpu.memory_space<vmem>>, vector<16xi32>,
        %slice3A_645 = vector.extract_strided_slice %get3A_644 {offsets = [0], sizes = [1], strides = [1]} : vector<16xi32> to vector<1xi32>
        %squeeze3A_646 = vector.extract %slice3A_645[0] : i32 from vector<1xi32>
        %shift_right_arithmetic3A_647 = arith.constant 7 : i32
        %shift_right_arithmetic3A_648 = arith.shrsi %squeeze3A_646, %shift_right_arithmetic3A_647 : i32
        %mul3A_649 = arith.constant 128 : i32
        %mul3A_650 = arith.muli %shift_right_arithmetic3A_648, %mul3A_649 : i32
        %dma_start3A_651 = arith.constant 7 : i32
        %dma_start3A_652 = arith.constant 0 : i32
        %dma_start3A_653 = arith.constant 0 : i32
        %dma_start3A_654 = tpu.memref_slice %arg6[%dma_start3A_651, %dma_start3A_652, %dma_start3A_653] : memref<8x64x128xf32, #tpu.memory_space<vmem>> -> memref<1x64x128xf32, #tpu.memory_space<vmem>>
        %dma_start3A_655 = tpu.memref_squeeze %dma_start3A_654 : memref<1x64x128xf32, #tpu.memory_space<vmem>> -> memref<64x128xf32, #tpu.memory_space<vmem>>
        %dma_start3A_656 = arith.constant 0 : i32
        %dma_start3A_657 = tpu.memref_slice %arg2[%dma_start3A_656, %mul3A_650] : memref<64x1000000xf32, #tpu.memory_space<hbm>> -> memref<64x128xf32, #tpu.memory_space<hbm>>
        %dma_start3A_658 = arith.constant 0 : i32
        %dma_start3A_659 = arith.constant 0 : i32
        %dma_start3A_660 = tpu.memref_slice %arg6[%dma_start3A_651, %dma_start3A_658, %dma_start3A_659] : memref<8x64x128xf32, #tpu.memory_space<vmem>> -> memref<1x64x128xf32, #tpu.memory_space<vmem>>
        %dma_start3A_661 = tpu.memref_squeeze %dma_start3A_660 : memref<1x64x128xf32, #tpu.memory_space<vmem>> -> memref<64x128xf32, #tpu.memory_space<vmem>>
        %dma_start3A_662 = arith.constant 0 : i32
        %dma_start3A_663 = tpu.memref_slice %arg2[%dma_start3A_662, %mul3A_650] : memref<64x1000000xf32, #tpu.memory_space<hbm>> -> memref<64x128xf32, #tpu.memory_space<hbm>>
        tpu.enqueue_dma source(%dma_start3A_663 : memref<64x128xf32, #tpu.memory_space<hbm>>) target(%dma_start3A_661 : memref<64x128xf32, #tpu.memory_space<vmem>>) target_semaphore(%arg8 : memref<!tpu.dma_semaphore, #tpu.memory_space<semaphore_mem>>)
      } else {
      }
    }
    %scan3A_170 = arith.constant 32 : i32
    "tpu.region"() ({
      %run_scoped3A = tpu.sem_alloc : memref<!tpu.dma_semaphore, #tpu.memory_space<semaphore_mem>>
      %dma_start3A_179 = arith.constant 0 : i32
      %dma_start3A_180 = tpu.memref_slice %arg4[%mul3A_2, %dma_start3A_179] : memref<16384x64xf32, #tpu.memory_space<hbm>> -> memref<256x64xf32, #tpu.memory_space<hbm>>
      %dma_start3A_181 = arith.constant 0 : i32
      %dma_start3A_182 = tpu.memref_slice %arg4[%mul3A_2, %dma_start3A_181] : memref<16384x64xf32, #tpu.memory_space<hbm>> -> memref<256x64xf32, #tpu.memory_space<hbm>>
      tpu.enqueue_dma source(%arg7 : memref<256x64xf32, #tpu.memory_space<vmem>>) target(%dma_start3A_182 : memref<256x64xf32, #tpu.memory_space<hbm>>) target_semaphore(%run_scoped3A : memref<!tpu.dma_semaphore, #tpu.memory_space<semaphore_mem>>)
      %dma_wait3A = arith.constant 0 : i32
      %dma_wait3A_183 = tpu.memref_slice %arg4[%mul3A_2, %dma_wait3A] : memref<16384x64xf32, #tpu.memory_space<hbm>> -> memref<256x64xf32, #tpu.memory_space<hbm>>
      %dma_wait3A_184 = arith.constant 0 : i32
      %dma_wait3A_185 = tpu.memref_slice %arg4[%mul3A_2, %dma_wait3A_184] : memref<16384x64xf32, #tpu.memory_space<hbm>> -> memref<256x64xf32, #tpu.memory_space<hbm>>
      tpu.wait_dma2 semaphore(%run_scoped3A : memref<!tpu.dma_semaphore, #tpu.memory_space<semaphore_mem>>) src(%arg7 : memref<256x64xf32, #tpu.memory_space<vmem>>) dst(%dma_wait3A_185 : memref<256x64xf32, #tpu.memory_space<hbm>>)
      tpu.yield
    }) : () -> ()
    %scan3A_171 = arith.constant 0 : i32
    %scan3A_172 = arith.constant 32 : i32
    %scan3A_173 = arith.constant 32 : i32
    %scan3A_174 = arith.addi %scan3A_172, %scan3A_173 : i32
    %scan3A_175 = arith.constant 1 : i32
    scf.for %scan3A_179 = %scan3A_172 to %scan3A_174 step %scan3A_175  : i32 {
      %dma_wait3A = arith.constant 0 : i32
      %dma_wait3A_180 = arith.constant 0 : i32
      %dma_wait3A_181 = arith.constant 0 : i32
      %dma_wait3A_182 = tpu.memref_slice %arg6[%dma_wait3A, %dma_wait3A_180, %dma_wait3A_181] : memref<8x64x128xf32, #tpu.memory_space<vmem>> -> memref<4x64x128xf32, #tpu.memory_space<vmem>>
      %dma_wait3A_183 = arith.constant 0 : i32
      %dma_wait3A_184 = arith.constant 0 : i32
      %dma_wait3A_185 = tpu.memref_slice %arg2[%dma_wait3A_183, %dma_wait3A_184] : memref<64x1000000xf32, #tpu.memory_space<hbm>> -> memref<64x512xf32, #tpu.memory_space<hbm>>
      %dma_wait3A_186 = arith.constant 0 : i32
      %dma_wait3A_187 = arith.constant 0 : i32
      %dma_wait3A_188 = arith.constant 0 : i32
      %dma_wait3A_189 = tpu.memref_slice %arg6[%dma_wait3A_186, %dma_wait3A_187, %dma_wait3A_188] : memref<8x64x128xf32, #tpu.memory_space<vmem>> -> memref<4x64x128xf32, #tpu.memory_space<vmem>>
      %dma_wait3A_190 = arith.constant 0 : i32
      %dma_wait3A_191 = arith.constant 0 : i32
      %dma_wait3A_192 = tpu.memref_slice %arg2[%dma_wait3A_190, %dma_wait3A_191] : memref<64x1000000xf32, #tpu.memory_space<hbm>> -> memref<64x512xf32, #tpu.memory_space<hbm>>
      tpu.wait_dma2 semaphore(%arg8 : memref<!tpu.dma_semaphore, #tpu.memory_space<semaphore_mem>>) src(%dma_wait3A_192 : memref<64x512xf32, #tpu.memory_space<hbm>>) dst(%dma_wait3A_189 : memref<4x64x128xf32, #tpu.memory_space<vmem>>)
      %mul3A_193 = arith.constant 8 : i32
      %mul3A_194 = arith.muli %scan3A_179, %mul3A_193 : i32
      %add3A_195 = arith.constant 0 : i32
      %add3A_196 = arith.addi %mul3A_194, %add3A_195 : i32
      %get3A_197 = arith.index_cast %add3A_196 : i32 to index
      %get3A_198 = tpu.vector_load %arg5[%get3A_197] {strides = array<i32>} : memref<528xi32, #tpu.memory_space<vmem>>, vector<16xi32>,
      %slice3A_199 = vector.extract_strided_slice %get3A_198 {offsets = [0], sizes = [1], strides = [1]} : vector<16xi32> to vector<1xi32>
      %squeeze3A_200 = vector.extract %slice3A_199[0] : i32 from vector<1xi32>
      %and3A = arith.constant 127 : i32
      %and3A_201 = arith.andi %squeeze3A_200, %and3A : i32
      %broadcast_in_dim3A = vector.broadcast %and3A_201 : i32 to vector<16xi32>
      %and3A_202 = arith.constant 255 : i32
      %and3A_203 = arith.andi %add3A_196, %and3A_202 : i32
      %broadcast_in_dim3A_204 = vector.broadcast %and3A_203 : i32 to vector<16xi32>
      %add3A_205 = arith.constant 0 : i32
      %add3A_206 = vector.broadcast %add3A_205 : i32 to vector<16xi32>
      %add3A_207 = arith.addi %add3A_206, %iota3A : vector<16xi32>
      %gather3A = arith.constant 0 : i32
      %gather3A_208 = arith.constant 0 : i32
      %gather3A_209 = arith.constant 0 : i32
      %gather3A_210 = tpu.memref_slice %arg6[%gather3A, %gather3A_208, %gather3A_209] : memref<8x64x128xf32, #tpu.memory_space<vmem>> -> memref<1x64x128xf32, #tpu.memory_space<vmem>>
      %gather3A_211 = tpu.memref_squeeze %gather3A_210 : memref<1x64x128xf32, #tpu.memory_space<vmem>> -> memref<64x128xf32, #tpu.memory_space<vmem>>
      %gather3A_212 = tpu.vector_load_idx %gather3A_211[%add3A_207, %broadcast_in_dim3A] : memref<64x128xf32, #tpu.memory_space<vmem>>[vector<16xi32>, vector<16xi32>], vector<16xf32>,
      tpu.vector_store_idx %arg7[%broadcast_in_dim3A_204, %add3A_207], %gather3A_212 : memref<256x64xf32, #tpu.memory_space<vmem>>[vector<16xi32>, vector<16xi32>], vector<16xf32>,
      %add3A_213 = arith.constant 16 : i32
      %add3A_214 = vector.broadcast %add3A_213 : i32 to vector<16xi32>
      %add3A_215 = arith.addi %add3A_214, %iota3A : vector<16xi32>
      %gather3A_216 = arith.constant 0 : i32
      %gather3A_217 = arith.constant 0 : i32
      %gather3A_218 = arith.constant 0 : i32
      %gather3A_219 = tpu.memref_slice %arg6[%gather3A_216, %gather3A_217, %gather3A_218] : memref<8x64x128xf32, #tpu.memory_space<vmem>> -> memref<1x64x128xf32, #tpu.memory_space<vmem>>
      %gather3A_220 = tpu.memref_squeeze %gather3A_219 : memref<1x64x128xf32, #tpu.memory_space<vmem>> -> memref<64x128xf32, #tpu.memory_space<vmem>>
      %gather3A_221 = tpu.vector_load_idx %gather3A_220[%add3A_215, %broadcast_in_dim3A] : memref<64x128xf32, #tpu.memory_space<vmem>>[vector<16xi32>, vector<16xi32>], vector<16xf32>,
      tpu.vector_store_idx %arg7[%broadcast_in_dim3A_204, %add3A_215], %gather3A_221 : memref<256x64xf32, #tpu.memory_space<vmem>>[vector<16xi32>, vector<16xi32>], vector<16xf32>,
      %add3A_222 = arith.constant 32 : i32
      %add3A_223 = vector.broadcast %add3A_222 : i32 to vector<16xi32>
      %add3A_224 = arith.addi %add3A_223, %iota3A : vector<16xi32>
      %gather3A_225 = arith.constant 0 : i32
      %gather3A_226 = arith.constant 0 : i32
      %gather3A_227 = arith.constant 0 : i32
      %gather3A_228 = tpu.memref_slice %arg6[%gather3A_225, %gather3A_226, %gather3A_227] : memref<8x64x128xf32, #tpu.memory_space<vmem>> -> memref<1x64x128xf32, #tpu.memory_space<vmem>>
      %gather3A_229 = tpu.memref_squeeze %gather3A_228 : memref<1x64x128xf32, #tpu.memory_space<vmem>> -> memref<64x128xf32, #tpu.memory_space<vmem>>
      %gather3A_230 = tpu.vector_load_idx %gather3A_229[%add3A_224, %broadcast_in_dim3A] : memref<64x128xf32, #tpu.memory_space<vmem>>[vector<16xi32>, vector<16xi32>], vector<16xf32>,
      tpu.vector_store_idx %arg7[%broadcast_in_dim3A_204, %add3A_224], %gather3A_230 : memref<256x64xf32, #tpu.memory_space<vmem>>[vector<16xi32>, vector<16xi32>], vector<16xf32>,
      %add3A_231 = arith.constant 48 : i32
      %add3A_232 = vector.broadcast %add3A_231 : i32 to vector<16xi32>
      %add3A_233 = arith.addi %add3A_232, %iota3A : vector<16xi32>
      %gather3A_234 = arith.constant 0 : i32
      %gather3A_235 = arith.constant 0 : i32
      %gather3A_236 = arith.constant 0 : i32
      %gather3A_237 = tpu.memref_slice %arg6[%gather3A_234, %gather3A_235, %gather3A_236] : memref<8x64x128xf32, #tpu.memory_space<vmem>> -> memref<1x64x128xf32, #tpu.memory_space<vmem>>
      %gather3A_238 = tpu.memref_squeeze %gather3A_237 : memref<1x64x128xf32, #tpu.memory_space<vmem>> -> memref<64x128xf32, #tpu.memory_space<vmem>>
      %gather3A_239 = tpu.vector_load_idx %gather3A_238[%add3A_233, %broadcast_in_dim3A] : memref<64x128xf32, #tpu.memory_space<vmem>>[vector<16xi32>, vector<16xi32>], vector<16xf32>,
      tpu.vector_store_idx %arg7[%broadcast_in_dim3A_204, %add3A_233], %gather3A_239 : memref<256x64xf32, #tpu.memory_space<vmem>>[vector<16xi32>, vector<16xi32>], vector<16xf32>,
      %lt3A = arith.constant 504 : i32
      %lt3A_240 = arith.cmpi slt, %add3A_196, %lt3A : i32
      %convert_element_type3A = arith.extui %lt3A_240 : i1 to i32
      %cond3A = arith.constant 0 : i32
      %cond3A_241 = arith.cmpi ne, %convert_element_type3A, %cond3A : i32
      scf.if %cond3A_241 {
        %add3A_641 = arith.constant 8 : i32
        %add3A_642 = arith.addi %add3A_196, %add3A_641 : i32
        %get3A_643 = arith.index_cast %add3A_642 : i32 to index
        %get3A_644 = tpu.vector_load %arg5[%get3A_643] {strides = array<i32>} : memref<528xi32, #tpu.memory_space<vmem>>, vector<16xi32>,
        %slice3A_645 = vector.extract_strided_slice %get3A_644 {offsets = [0], sizes = [1], strides = [1]} : vector<16xi32> to vector<1xi32>
        %squeeze3A_646 = vector.extract %slice3A_645[0] : i32 from vector<1xi32>
        %shift_right_arithmetic3A_647 = arith.constant 7 : i32
        %shift_right_arithmetic3A_648 = arith.shrsi %squeeze3A_646, %shift_right_arithmetic3A_647 : i32
        %mul3A_649 = arith.constant 128 : i32
        %mul3A_650 = arith.muli %shift_right_arithmetic3A_648, %mul3A_649 : i32
        %dma_start3A_651 = arith.constant 0 : i32
        %dma_start3A_652 = arith.constant 0 : i32
        %dma_start3A_653 = arith.constant 0 : i32
        %dma_start3A_654 = tpu.memref_slice %arg6[%dma_start3A_651, %dma_start3A_652, %dma_start3A_653] : memref<8x64x128xf32, #tpu.memory_space<vmem>> -> memref<1x64x128xf32, #tpu.memory_space<vmem>>
        %dma_start3A_655 = tpu.memref_squeeze %dma_start3A_654 : memref<1x64x128xf32, #tpu.memory_space<vmem>> -> memref<64x128xf32, #tpu.memory_space<vmem>>
        %dma_start3A_656 = arith.constant 0 : i32
        %dma_start3A_657 = tpu.memref_slice %arg2[%dma_start3A_656, %mul3A_650] : memref<64x1000000xf32, #tpu.memory_space<hbm>> -> memref<64x128xf32, #tpu.memory_space<hbm>>
        %dma_start3A_658 = arith.constant 0 : i32
        %dma_start3A_659 = arith.constant 0 : i32
        %dma_start3A_660 = tpu.memref_slice %arg6[%dma_start3A_651, %dma_start3A_658, %dma_start3A_659] : memref<8x64x128xf32, #tpu.memory_space<vmem>> -> memref<1x64x128xf32, #tpu.memory_space<vmem>>
        %dma_start3A_661 = tpu.memref_squeeze %dma_start3A_660 : memref<1x64x128xf32, #tpu.memory_space<vmem>> -> memref<64x128xf32, #tpu.memory_space<vmem>>
        %dma_start3A_662 = arith.constant 0 : i32
        %dma_start3A_663 = tpu.memref_slice %arg2[%dma_start3A_662, %mul3A_650] : memref<64x1000000xf32, #tpu.memory_space<hbm>> -> memref<64x128xf32, #tpu.memory_space<hbm>>
        tpu.enqueue_dma source(%dma_start3A_663 : memref<64x128xf32, #tpu.memory_space<hbm>>) target(%dma_start3A_661 : memref<64x128xf32, #tpu.memory_space<vmem>>) target_semaphore(%arg8 : memref<!tpu.dma_semaphore, #tpu.memory_space<semaphore_mem>>)
      } else {
      }
      %mul3A_242 = arith.constant 8 : i32
      %mul3A_243 = arith.muli %scan3A_179, %mul3A_242 : i32
      %add3A_244 = arith.constant 1 : i32
      %add3A_245 = arith.addi %mul3A_243, %add3A_244 : i32
      %get3A_246 = arith.index_cast %add3A_245 : i32 to index
      %get3A_247 = tpu.vector_load %arg5[%get3A_246] {strides = array<i32>} : memref<528xi32, #tpu.memory_space<vmem>>, vector<16xi32>,
      %slice3A_248 = vector.extract_strided_slice %get3A_247 {offsets = [0], sizes = [1], strides = [1]} : vector<16xi32> to vector<1xi32>
      %squeeze3A_249 = vector.extract %slice3A_248[0] : i32 from vector<1xi32>
      %and3A_250 = arith.constant 127 : i32
      %and3A_251 = arith.andi %squeeze3A_249, %and3A_250 : i32
      %broadcast_in_dim3A_252 = vector.broadcast %and3A_251 : i32 to vector<16xi32>
      %and3A_253 = arith.constant 255 : i32
      %and3A_254 = arith.andi %add3A_245, %and3A_253 : i32
      %broadcast_in_dim3A_255 = vector.broadcast %and3A_254 : i32 to vector<16xi32>
      %add3A_256 = arith.constant 0 : i32
      %add3A_257 = vector.broadcast %add3A_256 : i32 to vector<16xi32>
      %add3A_258 = arith.addi %add3A_257, %iota3A : vector<16xi32>
      %gather3A_259 = arith.constant 1 : i32
      %gather3A_260 = arith.constant 0 : i32
      %gather3A_261 = arith.constant 0 : i32
      %gather3A_262 = tpu.memref_slice %arg6[%gather3A_259, %gather3A_260, %gather3A_261] : memref<8x64x128xf32, #tpu.memory_space<vmem>> -> memref<1x64x128xf32, #tpu.memory_space<vmem>>
      %gather3A_263 = tpu.memref_squeeze %gather3A_262 : memref<1x64x128xf32, #tpu.memory_space<vmem>> -> memref<64x128xf32, #tpu.memory_space<vmem>>
      %gather3A_264 = tpu.vector_load_idx %gather3A_263[%add3A_258, %broadcast_in_dim3A_252] : memref<64x128xf32, #tpu.memory_space<vmem>>[vector<16xi32>, vector<16xi32>], vector<16xf32>,
      tpu.vector_store_idx %arg7[%broadcast_in_dim3A_255, %add3A_258], %gather3A_264 : memref<256x64xf32, #tpu.memory_space<vmem>>[vector<16xi32>, vector<16xi32>], vector<16xf32>,
      %add3A_265 = arith.constant 16 : i32
      %add3A_266 = vector.broadcast %add3A_265 : i32 to vector<16xi32>
      %add3A_267 = arith.addi %add3A_266, %iota3A : vector<16xi32>
      %gather3A_268 = arith.constant 1 : i32
      %gather3A_269 = arith.constant 0 : i32
      %gather3A_270 = arith.constant 0 : i32
      %gather3A_271 = tpu.memref_slice %arg6[%gather3A_268, %gather3A_269, %gather3A_270] : memref<8x64x128xf32, #tpu.memory_space<vmem>> -> memref<1x64x128xf32, #tpu.memory_space<vmem>>
      %gather3A_272 = tpu.memref_squeeze %gather3A_271 : memref<1x64x128xf32, #tpu.memory_space<vmem>> -> memref<64x128xf32, #tpu.memory_space<vmem>>
      %gather3A_273 = tpu.vector_load_idx %gather3A_272[%add3A_267, %broadcast_in_dim3A_252] : memref<64x128xf32, #tpu.memory_space<vmem>>[vector<16xi32>, vector<16xi32>], vector<16xf32>,
      tpu.vector_store_idx %arg7[%broadcast_in_dim3A_255, %add3A_267], %gather3A_273 : memref<256x64xf32, #tpu.memory_space<vmem>>[vector<16xi32>, vector<16xi32>], vector<16xf32>,
      %add3A_274 = arith.constant 32 : i32
      %add3A_275 = vector.broadcast %add3A_274 : i32 to vector<16xi32>
      %add3A_276 = arith.addi %add3A_275, %iota3A : vector<16xi32>
      %gather3A_277 = arith.constant 1 : i32
      %gather3A_278 = arith.constant 0 : i32
      %gather3A_279 = arith.constant 0 : i32
      %gather3A_280 = tpu.memref_slice %arg6[%gather3A_277, %gather3A_278, %gather3A_279] : memref<8x64x128xf32, #tpu.memory_space<vmem>> -> memref<1x64x128xf32, #tpu.memory_space<vmem>>
      %gather3A_281 = tpu.memref_squeeze %gather3A_280 : memref<1x64x128xf32, #tpu.memory_space<vmem>> -> memref<64x128xf32, #tpu.memory_space<vmem>>
      %gather3A_282 = tpu.vector_load_idx %gather3A_281[%add3A_276, %broadcast_in_dim3A_252] : memref<64x128xf32, #tpu.memory_space<vmem>>[vector<16xi32>, vector<16xi32>], vector<16xf32>,
      tpu.vector_store_idx %arg7[%broadcast_in_dim3A_255, %add3A_276], %gather3A_282 : memref<256x64xf32, #tpu.memory_space<vmem>>[vector<16xi32>, vector<16xi32>], vector<16xf32>,
      %add3A_283 = arith.constant 48 : i32
      %add3A_284 = vector.broadcast %add3A_283 : i32 to vector<16xi32>
      %add3A_285 = arith.addi %add3A_284, %iota3A : vector<16xi32>
      %gather3A_286 = arith.constant 1 : i32
      %gather3A_287 = arith.constant 0 : i32
      %gather3A_288 = arith.constant 0 : i32
      %gather3A_289 = tpu.memref_slice %arg6[%gather3A_286, %gather3A_287, %gather3A_288] : memref<8x64x128xf32, #tpu.memory_space<vmem>> -> memref<1x64x128xf32, #tpu.memory_space<vmem>>
      %gather3A_290 = tpu.memref_squeeze %gather3A_289 : memref<1x64x128xf32, #tpu.memory_space<vmem>> -> memref<64x128xf32, #tpu.memory_space<vmem>>
      %gather3A_291 = tpu.vector_load_idx %gather3A_290[%add3A_285, %broadcast_in_dim3A_252] : memref<64x128xf32, #tpu.memory_space<vmem>>[vector<16xi32>, vector<16xi32>], vector<16xf32>,
      tpu.vector_store_idx %arg7[%broadcast_in_dim3A_255, %add3A_285], %gather3A_291 : memref<256x64xf32, #tpu.memory_space<vmem>>[vector<16xi32>, vector<16xi32>], vector<16xf32>,
      %lt3A_292 = arith.constant 504 : i32
      %lt3A_293 = arith.cmpi slt, %add3A_245, %lt3A_292 : i32
      %convert_element_type3A_294 = arith.extui %lt3A_293 : i1 to i32
      %cond3A_295 = arith.constant 0 : i32
      %cond3A_296 = arith.cmpi ne, %convert_element_type3A_294, %cond3A_295 : i32
      scf.if %cond3A_296 {
        %add3A_641 = arith.constant 8 : i32
        %add3A_642 = arith.addi %add3A_245, %add3A_641 : i32
        %get3A_643 = arith.index_cast %add3A_642 : i32 to index
        %get3A_644 = tpu.vector_load %arg5[%get3A_643] {strides = array<i32>} : memref<528xi32, #tpu.memory_space<vmem>>, vector<16xi32>,
        %slice3A_645 = vector.extract_strided_slice %get3A_644 {offsets = [0], sizes = [1], strides = [1]} : vector<16xi32> to vector<1xi32>
        %squeeze3A_646 = vector.extract %slice3A_645[0] : i32 from vector<1xi32>
        %shift_right_arithmetic3A_647 = arith.constant 7 : i32
        %shift_right_arithmetic3A_648 = arith.shrsi %squeeze3A_646, %shift_right_arithmetic3A_647 : i32
        %mul3A_649 = arith.constant 128 : i32
        %mul3A_650 = arith.muli %shift_right_arithmetic3A_648, %mul3A_649 : i32
        %dma_start3A_651 = arith.constant 1 : i32
        %dma_start3A_652 = arith.constant 0 : i32
        %dma_start3A_653 = arith.constant 0 : i32
        %dma_start3A_654 = tpu.memref_slice %arg6[%dma_start3A_651, %dma_start3A_652, %dma_start3A_653] : memref<8x64x128xf32, #tpu.memory_space<vmem>> -> memref<1x64x128xf32, #tpu.memory_space<vmem>>
        %dma_start3A_655 = tpu.memref_squeeze %dma_start3A_654 : memref<1x64x128xf32, #tpu.memory_space<vmem>> -> memref<64x128xf32, #tpu.memory_space<vmem>>
        %dma_start3A_656 = arith.constant 0 : i32
        %dma_start3A_657 = tpu.memref_slice %arg2[%dma_start3A_656, %mul3A_650] : memref<64x1000000xf32, #tpu.memory_space<hbm>> -> memref<64x128xf32, #tpu.memory_space<hbm>>
        %dma_start3A_658 = arith.constant 0 : i32
        %dma_start3A_659 = arith.constant 0 : i32
        %dma_start3A_660 = tpu.memref_slice %arg6[%dma_start3A_651, %dma_start3A_658, %dma_start3A_659] : memref<8x64x128xf32, #tpu.memory_space<vmem>> -> memref<1x64x128xf32, #tpu.memory_space<vmem>>
        %dma_start3A_661 = tpu.memref_squeeze %dma_start3A_660 : memref<1x64x128xf32, #tpu.memory_space<vmem>> -> memref<64x128xf32, #tpu.memory_space<vmem>>
        %dma_start3A_662 = arith.constant 0 : i32
        %dma_start3A_663 = tpu.memref_slice %arg2[%dma_start3A_662, %mul3A_650] : memref<64x1000000xf32, #tpu.memory_space<hbm>> -> memref<64x128xf32, #tpu.memory_space<hbm>>
        tpu.enqueue_dma source(%dma_start3A_663 : memref<64x128xf32, #tpu.memory_space<hbm>>) target(%dma_start3A_661 : memref<64x128xf32, #tpu.memory_space<vmem>>) target_semaphore(%arg8 : memref<!tpu.dma_semaphore, #tpu.memory_space<semaphore_mem>>)
      } else {
      }
      %mul3A_297 = arith.constant 8 : i32
      %mul3A_298 = arith.muli %scan3A_179, %mul3A_297 : i32
      %add3A_299 = arith.constant 2 : i32
      %add3A_300 = arith.addi %mul3A_298, %add3A_299 : i32
      %get3A_301 = arith.index_cast %add3A_300 : i32 to index
      %get3A_302 = tpu.vector_load %arg5[%get3A_301] {strides = array<i32>} : memref<528xi32, #tpu.memory_space<vmem>>, vector<16xi32>,
      %slice3A_303 = vector.extract_strided_slice %get3A_302 {offsets = [0], sizes = [1], strides = [1]} : vector<16xi32> to vector<1xi32>
      %squeeze3A_304 = vector.extract %slice3A_303[0] : i32 from vector<1xi32>
      %and3A_305 = arith.constant 127 : i32
      %and3A_306 = arith.andi %squeeze3A_304, %and3A_305 : i32
      %broadcast_in_dim3A_307 = vector.broadcast %and3A_306 : i32 to vector<16xi32>
      %and3A_308 = arith.constant 255 : i32
      %and3A_309 = arith.andi %add3A_300, %and3A_308 : i32
      %broadcast_in_dim3A_310 = vector.broadcast %and3A_309 : i32 to vector<16xi32>
      %add3A_311 = arith.constant 0 : i32
      %add3A_312 = vector.broadcast %add3A_311 : i32 to vector<16xi32>
      %add3A_313 = arith.addi %add3A_312, %iota3A : vector<16xi32>
      %gather3A_314 = arith.constant 2 : i32
      %gather3A_315 = arith.constant 0 : i32
      %gather3A_316 = arith.constant 0 : i32
      %gather3A_317 = tpu.memref_slice %arg6[%gather3A_314, %gather3A_315, %gather3A_316] : memref<8x64x128xf32, #tpu.memory_space<vmem>> -> memref<1x64x128xf32, #tpu.memory_space<vmem>>
      %gather3A_318 = tpu.memref_squeeze %gather3A_317 : memref<1x64x128xf32, #tpu.memory_space<vmem>> -> memref<64x128xf32, #tpu.memory_space<vmem>>
      %gather3A_319 = tpu.vector_load_idx %gather3A_318[%add3A_313, %broadcast_in_dim3A_307] : memref<64x128xf32, #tpu.memory_space<vmem>>[vector<16xi32>, vector<16xi32>], vector<16xf32>,
      tpu.vector_store_idx %arg7[%broadcast_in_dim3A_310, %add3A_313], %gather3A_319 : memref<256x64xf32, #tpu.memory_space<vmem>>[vector<16xi32>, vector<16xi32>], vector<16xf32>,
      %add3A_320 = arith.constant 16 : i32
      %add3A_321 = vector.broadcast %add3A_320 : i32 to vector<16xi32>
      %add3A_322 = arith.addi %add3A_321, %iota3A : vector<16xi32>
      %gather3A_323 = arith.constant 2 : i32
      %gather3A_324 = arith.constant 0 : i32
      %gather3A_325 = arith.constant 0 : i32
      %gather3A_326 = tpu.memref_slice %arg6[%gather3A_323, %gather3A_324, %gather3A_325] : memref<8x64x128xf32, #tpu.memory_space<vmem>> -> memref<1x64x128xf32, #tpu.memory_space<vmem>>
      %gather3A_327 = tpu.memref_squeeze %gather3A_326 : memref<1x64x128xf32, #tpu.memory_space<vmem>> -> memref<64x128xf32, #tpu.memory_space<vmem>>
      %gather3A_328 = tpu.vector_load_idx %gather3A_327[%add3A_322, %broadcast_in_dim3A_307] : memref<64x128xf32, #tpu.memory_space<vmem>>[vector<16xi32>, vector<16xi32>], vector<16xf32>,
      tpu.vector_store_idx %arg7[%broadcast_in_dim3A_310, %add3A_322], %gather3A_328 : memref<256x64xf32, #tpu.memory_space<vmem>>[vector<16xi32>, vector<16xi32>], vector<16xf32>,
      %add3A_329 = arith.constant 32 : i32
      %add3A_330 = vector.broadcast %add3A_329 : i32 to vector<16xi32>
      %add3A_331 = arith.addi %add3A_330, %iota3A : vector<16xi32>
      %gather3A_332 = arith.constant 2 : i32
      %gather3A_333 = arith.constant 0 : i32
      %gather3A_334 = arith.constant 0 : i32
      %gather3A_335 = tpu.memref_slice %arg6[%gather3A_332, %gather3A_333, %gather3A_334] : memref<8x64x128xf32, #tpu.memory_space<vmem>> -> memref<1x64x128xf32, #tpu.memory_space<vmem>>
      %gather3A_336 = tpu.memref_squeeze %gather3A_335 : memref<1x64x128xf32, #tpu.memory_space<vmem>> -> memref<64x128xf32, #tpu.memory_space<vmem>>
      %gather3A_337 = tpu.vector_load_idx %gather3A_336[%add3A_331, %broadcast_in_dim3A_307] : memref<64x128xf32, #tpu.memory_space<vmem>>[vector<16xi32>, vector<16xi32>], vector<16xf32>,
      tpu.vector_store_idx %arg7[%broadcast_in_dim3A_310, %add3A_331], %gather3A_337 : memref<256x64xf32, #tpu.memory_space<vmem>>[vector<16xi32>, vector<16xi32>], vector<16xf32>,
      %add3A_338 = arith.constant 48 : i32
      %add3A_339 = vector.broadcast %add3A_338 : i32 to vector<16xi32>
      %add3A_340 = arith.addi %add3A_339, %iota3A : vector<16xi32>
      %gather3A_341 = arith.constant 2 : i32
      %gather3A_342 = arith.constant 0 : i32
      %gather3A_343 = arith.constant 0 : i32
      %gather3A_344 = tpu.memref_slice %arg6[%gather3A_341, %gather3A_342, %gather3A_343] : memref<8x64x128xf32, #tpu.memory_space<vmem>> -> memref<1x64x128xf32, #tpu.memory_space<vmem>>
      %gather3A_345 = tpu.memref_squeeze %gather3A_344 : memref<1x64x128xf32, #tpu.memory_space<vmem>> -> memref<64x128xf32, #tpu.memory_space<vmem>>
      %gather3A_346 = tpu.vector_load_idx %gather3A_345[%add3A_340, %broadcast_in_dim3A_307] : memref<64x128xf32, #tpu.memory_space<vmem>>[vector<16xi32>, vector<16xi32>], vector<16xf32>,
      tpu.vector_store_idx %arg7[%broadcast_in_dim3A_310, %add3A_340], %gather3A_346 : memref<256x64xf32, #tpu.memory_space<vmem>>[vector<16xi32>, vector<16xi32>], vector<16xf32>,
      %lt3A_347 = arith.constant 504 : i32
      %lt3A_348 = arith.cmpi slt, %add3A_300, %lt3A_347 : i32
      %convert_element_type3A_349 = arith.extui %lt3A_348 : i1 to i32
      %cond3A_350 = arith.constant 0 : i32
      %cond3A_351 = arith.cmpi ne, %convert_element_type3A_349, %cond3A_350 : i32
      scf.if %cond3A_351 {
        %add3A_641 = arith.constant 8 : i32
        %add3A_642 = arith.addi %add3A_300, %add3A_641 : i32
        %get3A_643 = arith.index_cast %add3A_642 : i32 to index
        %get3A_644 = tpu.vector_load %arg5[%get3A_643] {strides = array<i32>} : memref<528xi32, #tpu.memory_space<vmem>>, vector<16xi32>,
        %slice3A_645 = vector.extract_strided_slice %get3A_644 {offsets = [0], sizes = [1], strides = [1]} : vector<16xi32> to vector<1xi32>
        %squeeze3A_646 = vector.extract %slice3A_645[0] : i32 from vector<1xi32>
        %shift_right_arithmetic3A_647 = arith.constant 7 : i32
        %shift_right_arithmetic3A_648 = arith.shrsi %squeeze3A_646, %shift_right_arithmetic3A_647 : i32
        %mul3A_649 = arith.constant 128 : i32
        %mul3A_650 = arith.muli %shift_right_arithmetic3A_648, %mul3A_649 : i32
        %dma_start3A_651 = arith.constant 2 : i32
        %dma_start3A_652 = arith.constant 0 : i32
        %dma_start3A_653 = arith.constant 0 : i32
        %dma_start3A_654 = tpu.memref_slice %arg6[%dma_start3A_651, %dma_start3A_652, %dma_start3A_653] : memref<8x64x128xf32, #tpu.memory_space<vmem>> -> memref<1x64x128xf32, #tpu.memory_space<vmem>>
        %dma_start3A_655 = tpu.memref_squeeze %dma_start3A_654 : memref<1x64x128xf32, #tpu.memory_space<vmem>> -> memref<64x128xf32, #tpu.memory_space<vmem>>
        %dma_start3A_656 = arith.constant 0 : i32
        %dma_start3A_657 = tpu.memref_slice %arg2[%dma_start3A_656, %mul3A_650] : memref<64x1000000xf32, #tpu.memory_space<hbm>> -> memref<64x128xf32, #tpu.memory_space<hbm>>
        %dma_start3A_658 = arith.constant 0 : i32
        %dma_start3A_659 = arith.constant 0 : i32
        %dma_start3A_660 = tpu.memref_slice %arg6[%dma_start3A_651, %dma_start3A_658, %dma_start3A_659] : memref<8x64x128xf32, #tpu.memory_space<vmem>> -> memref<1x64x128xf32, #tpu.memory_space<vmem>>
        %dma_start3A_661 = tpu.memref_squeeze %dma_start3A_660 : memref<1x64x128xf32, #tpu.memory_space<vmem>> -> memref<64x128xf32, #tpu.memory_space<vmem>>
        %dma_start3A_662 = arith.constant 0 : i32
        %dma_start3A_663 = tpu.memref_slice %arg2[%dma_start3A_662, %mul3A_650] : memref<64x1000000xf32, #tpu.memory_space<hbm>> -> memref<64x128xf32, #tpu.memory_space<hbm>>
        tpu.enqueue_dma source(%dma_start3A_663 : memref<64x128xf32, #tpu.memory_space<hbm>>) target(%dma_start3A_661 : memref<64x128xf32, #tpu.memory_space<vmem>>) target_semaphore(%arg8 : memref<!tpu.dma_semaphore, #tpu.memory_space<semaphore_mem>>)
      } else {
      }
      %mul3A_352 = arith.constant 8 : i32
      %mul3A_353 = arith.muli %scan3A_179, %mul3A_352 : i32
      %add3A_354 = arith.constant 3 : i32
      %add3A_355 = arith.addi %mul3A_353, %add3A_354 : i32
      %get3A_356 = arith.index_cast %add3A_355 : i32 to index
      %get3A_357 = tpu.vector_load %arg5[%get3A_356] {strides = array<i32>} : memref<528xi32, #tpu.memory_space<vmem>>, vector<16xi32>,
      %slice3A_358 = vector.extract_strided_slice %get3A_357 {offsets = [0], sizes = [1], strides = [1]} : vector<16xi32> to vector<1xi32>
      %squeeze3A_359 = vector.extract %slice3A_358[0] : i32 from vector<1xi32>
      %and3A_360 = arith.constant 127 : i32
      %and3A_361 = arith.andi %squeeze3A_359, %and3A_360 : i32
      %broadcast_in_dim3A_362 = vector.broadcast %and3A_361 : i32 to vector<16xi32>
      %and3A_363 = arith.constant 255 : i32
      %and3A_364 = arith.andi %add3A_355, %and3A_363 : i32
      %broadcast_in_dim3A_365 = vector.broadcast %and3A_364 : i32 to vector<16xi32>
      %add3A_366 = arith.constant 0 : i32
      %add3A_367 = vector.broadcast %add3A_366 : i32 to vector<16xi32>
      %add3A_368 = arith.addi %add3A_367, %iota3A : vector<16xi32>
      %gather3A_369 = arith.constant 3 : i32
      %gather3A_370 = arith.constant 0 : i32
      %gather3A_371 = arith.constant 0 : i32
      %gather3A_372 = tpu.memref_slice %arg6[%gather3A_369, %gather3A_370, %gather3A_371] : memref<8x64x128xf32, #tpu.memory_space<vmem>> -> memref<1x64x128xf32, #tpu.memory_space<vmem>>
      %gather3A_373 = tpu.memref_squeeze %gather3A_372 : memref<1x64x128xf32, #tpu.memory_space<vmem>> -> memref<64x128xf32, #tpu.memory_space<vmem>>
      %gather3A_374 = tpu.vector_load_idx %gather3A_373[%add3A_368, %broadcast_in_dim3A_362] : memref<64x128xf32, #tpu.memory_space<vmem>>[vector<16xi32>, vector<16xi32>], vector<16xf32>,
      tpu.vector_store_idx %arg7[%broadcast_in_dim3A_365, %add3A_368], %gather3A_374 : memref<256x64xf32, #tpu.memory_space<vmem>>[vector<16xi32>, vector<16xi32>], vector<16xf32>,
      %add3A_375 = arith.constant 16 : i32
      %add3A_376 = vector.broadcast %add3A_375 : i32 to vector<16xi32>
      %add3A_377 = arith.addi %add3A_376, %iota3A : vector<16xi32>
      %gather3A_378 = arith.constant 3 : i32
      %gather3A_379 = arith.constant 0 : i32
      %gather3A_380 = arith.constant 0 : i32
      %gather3A_381 = tpu.memref_slice %arg6[%gather3A_378, %gather3A_379, %gather3A_380] : memref<8x64x128xf32, #tpu.memory_space<vmem>> -> memref<1x64x128xf32, #tpu.memory_space<vmem>>
      %gather3A_382 = tpu.memref_squeeze %gather3A_381 : memref<1x64x128xf32, #tpu.memory_space<vmem>> -> memref<64x128xf32, #tpu.memory_space<vmem>>
      %gather3A_383 = tpu.vector_load_idx %gather3A_382[%add3A_377, %broadcast_in_dim3A_362] : memref<64x128xf32, #tpu.memory_space<vmem>>[vector<16xi32>, vector<16xi32>], vector<16xf32>,
      tpu.vector_store_idx %arg7[%broadcast_in_dim3A_365, %add3A_377], %gather3A_383 : memref<256x64xf32, #tpu.memory_space<vmem>>[vector<16xi32>, vector<16xi32>], vector<16xf32>,
      %add3A_384 = arith.constant 32 : i32
      %add3A_385 = vector.broadcast %add3A_384 : i32 to vector<16xi32>
      %add3A_386 = arith.addi %add3A_385, %iota3A : vector<16xi32>
      %gather3A_387 = arith.constant 3 : i32
      %gather3A_388 = arith.constant 0 : i32
      %gather3A_389 = arith.constant 0 : i32
      %gather3A_390 = tpu.memref_slice %arg6[%gather3A_387, %gather3A_388, %gather3A_389] : memref<8x64x128xf32, #tpu.memory_space<vmem>> -> memref<1x64x128xf32, #tpu.memory_space<vmem>>
      %gather3A_391 = tpu.memref_squeeze %gather3A_390 : memref<1x64x128xf32, #tpu.memory_space<vmem>> -> memref<64x128xf32, #tpu.memory_space<vmem>>
      %gather3A_392 = tpu.vector_load_idx %gather3A_391[%add3A_386, %broadcast_in_dim3A_362] : memref<64x128xf32, #tpu.memory_space<vmem>>[vector<16xi32>, vector<16xi32>], vector<16xf32>,
      tpu.vector_store_idx %arg7[%broadcast_in_dim3A_365, %add3A_386], %gather3A_392 : memref<256x64xf32, #tpu.memory_space<vmem>>[vector<16xi32>, vector<16xi32>], vector<16xf32>,
      %add3A_393 = arith.constant 48 : i32
      %add3A_394 = vector.broadcast %add3A_393 : i32 to vector<16xi32>
      %add3A_395 = arith.addi %add3A_394, %iota3A : vector<16xi32>
      %gather3A_396 = arith.constant 3 : i32
      %gather3A_397 = arith.constant 0 : i32
      %gather3A_398 = arith.constant 0 : i32
      %gather3A_399 = tpu.memref_slice %arg6[%gather3A_396, %gather3A_397, %gather3A_398] : memref<8x64x128xf32, #tpu.memory_space<vmem>> -> memref<1x64x128xf32, #tpu.memory_space<vmem>>
      %gather3A_400 = tpu.memref_squeeze %gather3A_399 : memref<1x64x128xf32, #tpu.memory_space<vmem>> -> memref<64x128xf32, #tpu.memory_space<vmem>>
      %gather3A_401 = tpu.vector_load_idx %gather3A_400[%add3A_395, %broadcast_in_dim3A_362] : memref<64x128xf32, #tpu.memory_space<vmem>>[vector<16xi32>, vector<16xi32>], vector<16xf32>,
      tpu.vector_store_idx %arg7[%broadcast_in_dim3A_365, %add3A_395], %gather3A_401 : memref<256x64xf32, #tpu.memory_space<vmem>>[vector<16xi32>, vector<16xi32>], vector<16xf32>,
      %lt3A_402 = arith.constant 504 : i32
      %lt3A_403 = arith.cmpi slt, %add3A_355, %lt3A_402 : i32
      %convert_element_type3A_404 = arith.extui %lt3A_403 : i1 to i32
      %cond3A_405 = arith.constant 0 : i32
      %cond3A_406 = arith.cmpi ne, %convert_element_type3A_404, %cond3A_405 : i32
      scf.if %cond3A_406 {
        %add3A_641 = arith.constant 8 : i32
        %add3A_642 = arith.addi %add3A_355, %add3A_641 : i32
        %get3A_643 = arith.index_cast %add3A_642 : i32 to index
        %get3A_644 = tpu.vector_load %arg5[%get3A_643] {strides = array<i32>} : memref<528xi32, #tpu.memory_space<vmem>>, vector<16xi32>,
        %slice3A_645 = vector.extract_strided_slice %get3A_644 {offsets = [0], sizes = [1], strides = [1]} : vector<16xi32> to vector<1xi32>
        %squeeze3A_646 = vector.extract %slice3A_645[0] : i32 from vector<1xi32>
        %shift_right_arithmetic3A_647 = arith.constant 7 : i32
        %shift_right_arithmetic3A_648 = arith.shrsi %squeeze3A_646, %shift_right_arithmetic3A_647 : i32
        %mul3A_649 = arith.constant 128 : i32
        %mul3A_650 = arith.muli %shift_right_arithmetic3A_648, %mul3A_649 : i32
        %dma_start3A_651 = arith.constant 3 : i32
        %dma_start3A_652 = arith.constant 0 : i32
        %dma_start3A_653 = arith.constant 0 : i32
        %dma_start3A_654 = tpu.memref_slice %arg6[%dma_start3A_651, %dma_start3A_652, %dma_start3A_653] : memref<8x64x128xf32, #tpu.memory_space<vmem>> -> memref<1x64x128xf32, #tpu.memory_space<vmem>>
        %dma_start3A_655 = tpu.memref_squeeze %dma_start3A_654 : memref<1x64x128xf32, #tpu.memory_space<vmem>> -> memref<64x128xf32, #tpu.memory_space<vmem>>
        %dma_start3A_656 = arith.constant 0 : i32
        %dma_start3A_657 = tpu.memref_slice %arg2[%dma_start3A_656, %mul3A_650] : memref<64x1000000xf32, #tpu.memory_space<hbm>> -> memref<64x128xf32, #tpu.memory_space<hbm>>
        %dma_start3A_658 = arith.constant 0 : i32
        %dma_start3A_659 = arith.constant 0 : i32
        %dma_start3A_660 = tpu.memref_slice %arg6[%dma_start3A_651, %dma_start3A_658, %dma_start3A_659] : memref<8x64x128xf32, #tpu.memory_space<vmem>> -> memref<1x64x128xf32, #tpu.memory_space<vmem>>
        %dma_start3A_661 = tpu.memref_squeeze %dma_start3A_660 : memref<1x64x128xf32, #tpu.memory_space<vmem>> -> memref<64x128xf32, #tpu.memory_space<vmem>>
        %dma_start3A_662 = arith.constant 0 : i32
        %dma_start3A_663 = tpu.memref_slice %arg2[%dma_start3A_662, %mul3A_650] : memref<64x1000000xf32, #tpu.memory_space<hbm>> -> memref<64x128xf32, #tpu.memory_space<hbm>>
        tpu.enqueue_dma source(%dma_start3A_663 : memref<64x128xf32, #tpu.memory_space<hbm>>) target(%dma_start3A_661 : memref<64x128xf32, #tpu.memory_space<vmem>>) target_semaphore(%arg8 : memref<!tpu.dma_semaphore, #tpu.memory_space<semaphore_mem>>)
      } else {
      }
      %dma_wait3A_407 = arith.constant 4 : i32
      %dma_wait3A_408 = arith.constant 0 : i32
      %dma_wait3A_409 = arith.constant 0 : i32
      %dma_wait3A_410 = tpu.memref_slice %arg6[%dma_wait3A_407, %dma_wait3A_408, %dma_wait3A_409] : memref<8x64x128xf32, #tpu.memory_space<vmem>> -> memref<4x64x128xf32, #tpu.memory_space<vmem>>
      %dma_wait3A_411 = arith.constant 0 : i32
      %dma_wait3A_412 = arith.constant 0 : i32
      %dma_wait3A_413 = tpu.memref_slice %arg2[%dma_wait3A_411, %dma_wait3A_412] : memref<64x1000000xf32, #tpu.memory_space<hbm>> -> memref<64x512xf32, #tpu.memory_space<hbm>>
      %dma_wait3A_414 = arith.constant 4 : i32
      %dma_wait3A_415 = arith.constant 0 : i32
      %dma_wait3A_416 = arith.constant 0 : i32
      %dma_wait3A_417 = tpu.memref_slice %arg6[%dma_wait3A_414, %dma_wait3A_415, %dma_wait3A_416] : memref<8x64x128xf32, #tpu.memory_space<vmem>> -> memref<4x64x128xf32, #tpu.memory_space<vmem>>
      %dma_wait3A_418 = arith.constant 0 : i32
      %dma_wait3A_419 = arith.constant 0 : i32
      %dma_wait3A_420 = tpu.memref_slice %arg2[%dma_wait3A_418, %dma_wait3A_419] : memref<64x1000000xf32, #tpu.memory_space<hbm>> -> memref<64x512xf32, #tpu.memory_space<hbm>>
      tpu.wait_dma2 semaphore(%arg8 : memref<!tpu.dma_semaphore, #tpu.memory_space<semaphore_mem>>) src(%dma_wait3A_420 : memref<64x512xf32, #tpu.memory_space<hbm>>) dst(%dma_wait3A_417 : memref<4x64x128xf32, #tpu.memory_space<vmem>>)
      %mul3A_421 = arith.constant 8 : i32
      %mul3A_422 = arith.muli %scan3A_179, %mul3A_421 : i32
      %add3A_423 = arith.constant 4 : i32
      %add3A_424 = arith.addi %mul3A_422, %add3A_423 : i32
      %get3A_425 = arith.index_cast %add3A_424 : i32 to index
      %get3A_426 = tpu.vector_load %arg5[%get3A_425] {strides = array<i32>} : memref<528xi32, #tpu.memory_space<vmem>>, vector<16xi32>,
      %slice3A_427 = vector.extract_strided_slice %get3A_426 {offsets = [0], sizes = [1], strides = [1]} : vector<16xi32> to vector<1xi32>
      %squeeze3A_428 = vector.extract %slice3A_427[0] : i32 from vector<1xi32>
      %and3A_429 = arith.constant 127 : i32
      %and3A_430 = arith.andi %squeeze3A_428, %and3A_429 : i32
      %broadcast_in_dim3A_431 = vector.broadcast %and3A_430 : i32 to vector<16xi32>
      %and3A_432 = arith.constant 255 : i32
      %and3A_433 = arith.andi %add3A_424, %and3A_432 : i32
      %broadcast_in_dim3A_434 = vector.broadcast %and3A_433 : i32 to vector<16xi32>
      %add3A_435 = arith.constant 0 : i32
      %add3A_436 = vector.broadcast %add3A_435 : i32 to vector<16xi32>
      %add3A_437 = arith.addi %add3A_436, %iota3A : vector<16xi32>
      %gather3A_438 = arith.constant 4 : i32
      %gather3A_439 = arith.constant 0 : i32
      %gather3A_440 = arith.constant 0 : i32
      %gather3A_441 = tpu.memref_slice %arg6[%gather3A_438, %gather3A_439, %gather3A_440] : memref<8x64x128xf32, #tpu.memory_space<vmem>> -> memref<1x64x128xf32, #tpu.memory_space<vmem>>
      %gather3A_442 = tpu.memref_squeeze %gather3A_441 : memref<1x64x128xf32, #tpu.memory_space<vmem>> -> memref<64x128xf32, #tpu.memory_space<vmem>>
      %gather3A_443 = tpu.vector_load_idx %gather3A_442[%add3A_437, %broadcast_in_dim3A_431] : memref<64x128xf32, #tpu.memory_space<vmem>>[vector<16xi32>, vector<16xi32>], vector<16xf32>,
      tpu.vector_store_idx %arg7[%broadcast_in_dim3A_434, %add3A_437], %gather3A_443 : memref<256x64xf32, #tpu.memory_space<vmem>>[vector<16xi32>, vector<16xi32>], vector<16xf32>,
      %add3A_444 = arith.constant 16 : i32
      %add3A_445 = vector.broadcast %add3A_444 : i32 to vector<16xi32>
      %add3A_446 = arith.addi %add3A_445, %iota3A : vector<16xi32>
      %gather3A_447 = arith.constant 4 : i32
      %gather3A_448 = arith.constant 0 : i32
      %gather3A_449 = arith.constant 0 : i32
      %gather3A_450 = tpu.memref_slice %arg6[%gather3A_447, %gather3A_448, %gather3A_449] : memref<8x64x128xf32, #tpu.memory_space<vmem>> -> memref<1x64x128xf32, #tpu.memory_space<vmem>>
      %gather3A_451 = tpu.memref_squeeze %gather3A_450 : memref<1x64x128xf32, #tpu.memory_space<vmem>> -> memref<64x128xf32, #tpu.memory_space<vmem>>
      %gather3A_452 = tpu.vector_load_idx %gather3A_451[%add3A_446, %broadcast_in_dim3A_431] : memref<64x128xf32, #tpu.memory_space<vmem>>[vector<16xi32>, vector<16xi32>], vector<16xf32>,
      tpu.vector_store_idx %arg7[%broadcast_in_dim3A_434, %add3A_446], %gather3A_452 : memref<256x64xf32, #tpu.memory_space<vmem>>[vector<16xi32>, vector<16xi32>], vector<16xf32>,
      %add3A_453 = arith.constant 32 : i32
      %add3A_454 = vector.broadcast %add3A_453 : i32 to vector<16xi32>
      %add3A_455 = arith.addi %add3A_454, %iota3A : vector<16xi32>
      %gather3A_456 = arith.constant 4 : i32
      %gather3A_457 = arith.constant 0 : i32
      %gather3A_458 = arith.constant 0 : i32
      %gather3A_459 = tpu.memref_slice %arg6[%gather3A_456, %gather3A_457, %gather3A_458] : memref<8x64x128xf32, #tpu.memory_space<vmem>> -> memref<1x64x128xf32, #tpu.memory_space<vmem>>
      %gather3A_460 = tpu.memref_squeeze %gather3A_459 : memref<1x64x128xf32, #tpu.memory_space<vmem>> -> memref<64x128xf32, #tpu.memory_space<vmem>>
      %gather3A_461 = tpu.vector_load_idx %gather3A_460[%add3A_455, %broadcast_in_dim3A_431] : memref<64x128xf32, #tpu.memory_space<vmem>>[vector<16xi32>, vector<16xi32>], vector<16xf32>,
      tpu.vector_store_idx %arg7[%broadcast_in_dim3A_434, %add3A_455], %gather3A_461 : memref<256x64xf32, #tpu.memory_space<vmem>>[vector<16xi32>, vector<16xi32>], vector<16xf32>,
      %add3A_462 = arith.constant 48 : i32
      %add3A_463 = vector.broadcast %add3A_462 : i32 to vector<16xi32>
      %add3A_464 = arith.addi %add3A_463, %iota3A : vector<16xi32>
      %gather3A_465 = arith.constant 4 : i32
      %gather3A_466 = arith.constant 0 : i32
      %gather3A_467 = arith.constant 0 : i32
      %gather3A_468 = tpu.memref_slice %arg6[%gather3A_465, %gather3A_466, %gather3A_467] : memref<8x64x128xf32, #tpu.memory_space<vmem>> -> memref<1x64x128xf32, #tpu.memory_space<vmem>>
      %gather3A_469 = tpu.memref_squeeze %gather3A_468 : memref<1x64x128xf32, #tpu.memory_space<vmem>> -> memref<64x128xf32, #tpu.memory_space<vmem>>
      %gather3A_470 = tpu.vector_load_idx %gather3A_469[%add3A_464, %broadcast_in_dim3A_431] : memref<64x128xf32, #tpu.memory_space<vmem>>[vector<16xi32>, vector<16xi32>], vector<16xf32>,
      tpu.vector_store_idx %arg7[%broadcast_in_dim3A_434, %add3A_464], %gather3A_470 : memref<256x64xf32, #tpu.memory_space<vmem>>[vector<16xi32>, vector<16xi32>], vector<16xf32>,
      %lt3A_471 = arith.constant 504 : i32
      %lt3A_472 = arith.cmpi slt, %add3A_424, %lt3A_471 : i32
      %convert_element_type3A_473 = arith.extui %lt3A_472 : i1 to i32
      %cond3A_474 = arith.constant 0 : i32
      %cond3A_475 = arith.cmpi ne, %convert_element_type3A_473, %cond3A_474 : i32
      scf.if %cond3A_475 {
        %add3A_641 = arith.constant 8 : i32
        %add3A_642 = arith.addi %add3A_424, %add3A_641 : i32
        %get3A_643 = arith.index_cast %add3A_642 : i32 to index
        %get3A_644 = tpu.vector_load %arg5[%get3A_643] {strides = array<i32>} : memref<528xi32, #tpu.memory_space<vmem>>, vector<16xi32>,
        %slice3A_645 = vector.extract_strided_slice %get3A_644 {offsets = [0], sizes = [1], strides = [1]} : vector<16xi32> to vector<1xi32>
        %squeeze3A_646 = vector.extract %slice3A_645[0] : i32 from vector<1xi32>
        %shift_right_arithmetic3A_647 = arith.constant 7 : i32
        %shift_right_arithmetic3A_648 = arith.shrsi %squeeze3A_646, %shift_right_arithmetic3A_647 : i32
        %mul3A_649 = arith.constant 128 : i32
        %mul3A_650 = arith.muli %shift_right_arithmetic3A_648, %mul3A_649 : i32
        %dma_start3A_651 = arith.constant 4 : i32
        %dma_start3A_652 = arith.constant 0 : i32
        %dma_start3A_653 = arith.constant 0 : i32
        %dma_start3A_654 = tpu.memref_slice %arg6[%dma_start3A_651, %dma_start3A_652, %dma_start3A_653] : memref<8x64x128xf32, #tpu.memory_space<vmem>> -> memref<1x64x128xf32, #tpu.memory_space<vmem>>
        %dma_start3A_655 = tpu.memref_squeeze %dma_start3A_654 : memref<1x64x128xf32, #tpu.memory_space<vmem>> -> memref<64x128xf32, #tpu.memory_space<vmem>>
        %dma_start3A_656 = arith.constant 0 : i32
        %dma_start3A_657 = tpu.memref_slice %arg2[%dma_start3A_656, %mul3A_650] : memref<64x1000000xf32, #tpu.memory_space<hbm>> -> memref<64x128xf32, #tpu.memory_space<hbm>>
        %dma_start3A_658 = arith.constant 0 : i32
        %dma_start3A_659 = arith.constant 0 : i32
        %dma_start3A_660 = tpu.memref_slice %arg6[%dma_start3A_651, %dma_start3A_658, %dma_start3A_659] : memref<8x64x128xf32, #tpu.memory_space<vmem>> -> memref<1x64x128xf32, #tpu.memory_space<vmem>>
        %dma_start3A_661 = tpu.memref_squeeze %dma_start3A_660 : memref<1x64x128xf32, #tpu.memory_space<vmem>> -> memref<64x128xf32, #tpu.memory_space<vmem>>
        %dma_start3A_662 = arith.constant 0 : i32
        %dma_start3A_663 = tpu.memref_slice %arg2[%dma_start3A_662, %mul3A_650] : memref<64x1000000xf32, #tpu.memory_space<hbm>> -> memref<64x128xf32, #tpu.memory_space<hbm>>
        tpu.enqueue_dma source(%dma_start3A_663 : memref<64x128xf32, #tpu.memory_space<hbm>>) target(%dma_start3A_661 : memref<64x128xf32, #tpu.memory_space<vmem>>) target_semaphore(%arg8 : memref<!tpu.dma_semaphore, #tpu.memory_space<semaphore_mem>>)
      } else {
      }
      %mul3A_476 = arith.constant 8 : i32
      %mul3A_477 = arith.muli %scan3A_179, %mul3A_476 : i32
      %add3A_478 = arith.constant 5 : i32
      %add3A_479 = arith.addi %mul3A_477, %add3A_478 : i32
      %get3A_480 = arith.index_cast %add3A_479 : i32 to index
      %get3A_481 = tpu.vector_load %arg5[%get3A_480] {strides = array<i32>} : memref<528xi32, #tpu.memory_space<vmem>>, vector<16xi32>,
      %slice3A_482 = vector.extract_strided_slice %get3A_481 {offsets = [0], sizes = [1], strides = [1]} : vector<16xi32> to vector<1xi32>
      %squeeze3A_483 = vector.extract %slice3A_482[0] : i32 from vector<1xi32>
      %and3A_484 = arith.constant 127 : i32
      %and3A_485 = arith.andi %squeeze3A_483, %and3A_484 : i32
      %broadcast_in_dim3A_486 = vector.broadcast %and3A_485 : i32 to vector<16xi32>
      %and3A_487 = arith.constant 255 : i32
      %and3A_488 = arith.andi %add3A_479, %and3A_487 : i32
      %broadcast_in_dim3A_489 = vector.broadcast %and3A_488 : i32 to vector<16xi32>
      %add3A_490 = arith.constant 0 : i32
      %add3A_491 = vector.broadcast %add3A_490 : i32 to vector<16xi32>
      %add3A_492 = arith.addi %add3A_491, %iota3A : vector<16xi32>
      %gather3A_493 = arith.constant 5 : i32
      %gather3A_494 = arith.constant 0 : i32
      %gather3A_495 = arith.constant 0 : i32
      %gather3A_496 = tpu.memref_slice %arg6[%gather3A_493, %gather3A_494, %gather3A_495] : memref<8x64x128xf32, #tpu.memory_space<vmem>> -> memref<1x64x128xf32, #tpu.memory_space<vmem>>
      %gather3A_497 = tpu.memref_squeeze %gather3A_496 : memref<1x64x128xf32, #tpu.memory_space<vmem>> -> memref<64x128xf32, #tpu.memory_space<vmem>>
      %gather3A_498 = tpu.vector_load_idx %gather3A_497[%add3A_492, %broadcast_in_dim3A_486] : memref<64x128xf32, #tpu.memory_space<vmem>>[vector<16xi32>, vector<16xi32>], vector<16xf32>,
      tpu.vector_store_idx %arg7[%broadcast_in_dim3A_489, %add3A_492], %gather3A_498 : memref<256x64xf32, #tpu.memory_space<vmem>>[vector<16xi32>, vector<16xi32>], vector<16xf32>,
      %add3A_499 = arith.constant 16 : i32
      %add3A_500 = vector.broadcast %add3A_499 : i32 to vector<16xi32>
      %add3A_501 = arith.addi %add3A_500, %iota3A : vector<16xi32>
      %gather3A_502 = arith.constant 5 : i32
      %gather3A_503 = arith.constant 0 : i32
      %gather3A_504 = arith.constant 0 : i32
      %gather3A_505 = tpu.memref_slice %arg6[%gather3A_502, %gather3A_503, %gather3A_504] : memref<8x64x128xf32, #tpu.memory_space<vmem>> -> memref<1x64x128xf32, #tpu.memory_space<vmem>>
      %gather3A_506 = tpu.memref_squeeze %gather3A_505 : memref<1x64x128xf32, #tpu.memory_space<vmem>> -> memref<64x128xf32, #tpu.memory_space<vmem>>
      %gather3A_507 = tpu.vector_load_idx %gather3A_506[%add3A_501, %broadcast_in_dim3A_486] : memref<64x128xf32, #tpu.memory_space<vmem>>[vector<16xi32>, vector<16xi32>], vector<16xf32>,
      tpu.vector_store_idx %arg7[%broadcast_in_dim3A_489, %add3A_501], %gather3A_507 : memref<256x64xf32, #tpu.memory_space<vmem>>[vector<16xi32>, vector<16xi32>], vector<16xf32>,
      %add3A_508 = arith.constant 32 : i32
      %add3A_509 = vector.broadcast %add3A_508 : i32 to vector<16xi32>
      %add3A_510 = arith.addi %add3A_509, %iota3A : vector<16xi32>
      %gather3A_511 = arith.constant 5 : i32
      %gather3A_512 = arith.constant 0 : i32
      %gather3A_513 = arith.constant 0 : i32
      %gather3A_514 = tpu.memref_slice %arg6[%gather3A_511, %gather3A_512, %gather3A_513] : memref<8x64x128xf32, #tpu.memory_space<vmem>> -> memref<1x64x128xf32, #tpu.memory_space<vmem>>
      %gather3A_515 = tpu.memref_squeeze %gather3A_514 : memref<1x64x128xf32, #tpu.memory_space<vmem>> -> memref<64x128xf32, #tpu.memory_space<vmem>>
      %gather3A_516 = tpu.vector_load_idx %gather3A_515[%add3A_510, %broadcast_in_dim3A_486] : memref<64x128xf32, #tpu.memory_space<vmem>>[vector<16xi32>, vector<16xi32>], vector<16xf32>,
      tpu.vector_store_idx %arg7[%broadcast_in_dim3A_489, %add3A_510], %gather3A_516 : memref<256x64xf32, #tpu.memory_space<vmem>>[vector<16xi32>, vector<16xi32>], vector<16xf32>,
      %add3A_517 = arith.constant 48 : i32
      %add3A_518 = vector.broadcast %add3A_517 : i32 to vector<16xi32>
      %add3A_519 = arith.addi %add3A_518, %iota3A : vector<16xi32>
      %gather3A_520 = arith.constant 5 : i32
      %gather3A_521 = arith.constant 0 : i32
      %gather3A_522 = arith.constant 0 : i32
      %gather3A_523 = tpu.memref_slice %arg6[%gather3A_520, %gather3A_521, %gather3A_522] : memref<8x64x128xf32, #tpu.memory_space<vmem>> -> memref<1x64x128xf32, #tpu.memory_space<vmem>>
      %gather3A_524 = tpu.memref_squeeze %gather3A_523 : memref<1x64x128xf32, #tpu.memory_space<vmem>> -> memref<64x128xf32, #tpu.memory_space<vmem>>
      %gather3A_525 = tpu.vector_load_idx %gather3A_524[%add3A_519, %broadcast_in_dim3A_486] : memref<64x128xf32, #tpu.memory_space<vmem>>[vector<16xi32>, vector<16xi32>], vector<16xf32>,
      tpu.vector_store_idx %arg7[%broadcast_in_dim3A_489, %add3A_519], %gather3A_525 : memref<256x64xf32, #tpu.memory_space<vmem>>[vector<16xi32>, vector<16xi32>], vector<16xf32>,
      %lt3A_526 = arith.constant 504 : i32
      %lt3A_527 = arith.cmpi slt, %add3A_479, %lt3A_526 : i32
      %convert_element_type3A_528 = arith.extui %lt3A_527 : i1 to i32
      %cond3A_529 = arith.constant 0 : i32
      %cond3A_530 = arith.cmpi ne, %convert_element_type3A_528, %cond3A_529 : i32
      scf.if %cond3A_530 {
        %add3A_641 = arith.constant 8 : i32
        %add3A_642 = arith.addi %add3A_479, %add3A_641 : i32
        %get3A_643 = arith.index_cast %add3A_642 : i32 to index
        %get3A_644 = tpu.vector_load %arg5[%get3A_643] {strides = array<i32>} : memref<528xi32, #tpu.memory_space<vmem>>, vector<16xi32>,
        %slice3A_645 = vector.extract_strided_slice %get3A_644 {offsets = [0], sizes = [1], strides = [1]} : vector<16xi32> to vector<1xi32>
        %squeeze3A_646 = vector.extract %slice3A_645[0] : i32 from vector<1xi32>
        %shift_right_arithmetic3A_647 = arith.constant 7 : i32
        %shift_right_arithmetic3A_648 = arith.shrsi %squeeze3A_646, %shift_right_arithmetic3A_647 : i32
        %mul3A_649 = arith.constant 128 : i32
        %mul3A_650 = arith.muli %shift_right_arithmetic3A_648, %mul3A_649 : i32
        %dma_start3A_651 = arith.constant 5 : i32
        %dma_start3A_652 = arith.constant 0 : i32
        %dma_start3A_653 = arith.constant 0 : i32
        %dma_start3A_654 = tpu.memref_slice %arg6[%dma_start3A_651, %dma_start3A_652, %dma_start3A_653] : memref<8x64x128xf32, #tpu.memory_space<vmem>> -> memref<1x64x128xf32, #tpu.memory_space<vmem>>
        %dma_start3A_655 = tpu.memref_squeeze %dma_start3A_654 : memref<1x64x128xf32, #tpu.memory_space<vmem>> -> memref<64x128xf32, #tpu.memory_space<vmem>>
        %dma_start3A_656 = arith.constant 0 : i32
        %dma_start3A_657 = tpu.memref_slice %arg2[%dma_start3A_656, %mul3A_650] : memref<64x1000000xf32, #tpu.memory_space<hbm>> -> memref<64x128xf32, #tpu.memory_space<hbm>>
        %dma_start3A_658 = arith.constant 0 : i32
        %dma_start3A_659 = arith.constant 0 : i32
        %dma_start3A_660 = tpu.memref_slice %arg6[%dma_start3A_651, %dma_start3A_658, %dma_start3A_659] : memref<8x64x128xf32, #tpu.memory_space<vmem>> -> memref<1x64x128xf32, #tpu.memory_space<vmem>>
        %dma_start3A_661 = tpu.memref_squeeze %dma_start3A_660 : memref<1x64x128xf32, #tpu.memory_space<vmem>> -> memref<64x128xf32, #tpu.memory_space<vmem>>
        %dma_start3A_662 = arith.constant 0 : i32
        %dma_start3A_663 = tpu.memref_slice %arg2[%dma_start3A_662, %mul3A_650] : memref<64x1000000xf32, #tpu.memory_space<hbm>> -> memref<64x128xf32, #tpu.memory_space<hbm>>
        tpu.enqueue_dma source(%dma_start3A_663 : memref<64x128xf32, #tpu.memory_space<hbm>>) target(%dma_start3A_661 : memref<64x128xf32, #tpu.memory_space<vmem>>) target_semaphore(%arg8 : memref<!tpu.dma_semaphore, #tpu.memory_space<semaphore_mem>>)
      } else {
      }
      %mul3A_531 = arith.constant 8 : i32
      %mul3A_532 = arith.muli %scan3A_179, %mul3A_531 : i32
      %add3A_533 = arith.constant 6 : i32
      %add3A_534 = arith.addi %mul3A_532, %add3A_533 : i32
      %get3A_535 = arith.index_cast %add3A_534 : i32 to index
      %get3A_536 = tpu.vector_load %arg5[%get3A_535] {strides = array<i32>} : memref<528xi32, #tpu.memory_space<vmem>>, vector<16xi32>,
      %slice3A_537 = vector.extract_strided_slice %get3A_536 {offsets = [0], sizes = [1], strides = [1]} : vector<16xi32> to vector<1xi32>
      %squeeze3A_538 = vector.extract %slice3A_537[0] : i32 from vector<1xi32>
      %and3A_539 = arith.constant 127 : i32
      %and3A_540 = arith.andi %squeeze3A_538, %and3A_539 : i32
      %broadcast_in_dim3A_541 = vector.broadcast %and3A_540 : i32 to vector<16xi32>
      %and3A_542 = arith.constant 255 : i32
      %and3A_543 = arith.andi %add3A_534, %and3A_542 : i32
      %broadcast_in_dim3A_544 = vector.broadcast %and3A_543 : i32 to vector<16xi32>
      %add3A_545 = arith.constant 0 : i32
      %add3A_546 = vector.broadcast %add3A_545 : i32 to vector<16xi32>
      %add3A_547 = arith.addi %add3A_546, %iota3A : vector<16xi32>
      %gather3A_548 = arith.constant 6 : i32
      %gather3A_549 = arith.constant 0 : i32
      %gather3A_550 = arith.constant 0 : i32
      %gather3A_551 = tpu.memref_slice %arg6[%gather3A_548, %gather3A_549, %gather3A_550] : memref<8x64x128xf32, #tpu.memory_space<vmem>> -> memref<1x64x128xf32, #tpu.memory_space<vmem>>
      %gather3A_552 = tpu.memref_squeeze %gather3A_551 : memref<1x64x128xf32, #tpu.memory_space<vmem>> -> memref<64x128xf32, #tpu.memory_space<vmem>>
      %gather3A_553 = tpu.vector_load_idx %gather3A_552[%add3A_547, %broadcast_in_dim3A_541] : memref<64x128xf32, #tpu.memory_space<vmem>>[vector<16xi32>, vector<16xi32>], vector<16xf32>,
      tpu.vector_store_idx %arg7[%broadcast_in_dim3A_544, %add3A_547], %gather3A_553 : memref<256x64xf32, #tpu.memory_space<vmem>>[vector<16xi32>, vector<16xi32>], vector<16xf32>,
      %add3A_554 = arith.constant 16 : i32
      %add3A_555 = vector.broadcast %add3A_554 : i32 to vector<16xi32>
      %add3A_556 = arith.addi %add3A_555, %iota3A : vector<16xi32>
      %gather3A_557 = arith.constant 6 : i32
      %gather3A_558 = arith.constant 0 : i32
      %gather3A_559 = arith.constant 0 : i32
      %gather3A_560 = tpu.memref_slice %arg6[%gather3A_557, %gather3A_558, %gather3A_559] : memref<8x64x128xf32, #tpu.memory_space<vmem>> -> memref<1x64x128xf32, #tpu.memory_space<vmem>>
      %gather3A_561 = tpu.memref_squeeze %gather3A_560 : memref<1x64x128xf32, #tpu.memory_space<vmem>> -> memref<64x128xf32, #tpu.memory_space<vmem>>
      %gather3A_562 = tpu.vector_load_idx %gather3A_561[%add3A_556, %broadcast_in_dim3A_541] : memref<64x128xf32, #tpu.memory_space<vmem>>[vector<16xi32>, vector<16xi32>], vector<16xf32>,
      tpu.vector_store_idx %arg7[%broadcast_in_dim3A_544, %add3A_556], %gather3A_562 : memref<256x64xf32, #tpu.memory_space<vmem>>[vector<16xi32>, vector<16xi32>], vector<16xf32>,
      %add3A_563 = arith.constant 32 : i32
      %add3A_564 = vector.broadcast %add3A_563 : i32 to vector<16xi32>
      %add3A_565 = arith.addi %add3A_564, %iota3A : vector<16xi32>
      %gather3A_566 = arith.constant 6 : i32
      %gather3A_567 = arith.constant 0 : i32
      %gather3A_568 = arith.constant 0 : i32
      %gather3A_569 = tpu.memref_slice %arg6[%gather3A_566, %gather3A_567, %gather3A_568] : memref<8x64x128xf32, #tpu.memory_space<vmem>> -> memref<1x64x128xf32, #tpu.memory_space<vmem>>
      %gather3A_570 = tpu.memref_squeeze %gather3A_569 : memref<1x64x128xf32, #tpu.memory_space<vmem>> -> memref<64x128xf32, #tpu.memory_space<vmem>>
      %gather3A_571 = tpu.vector_load_idx %gather3A_570[%add3A_565, %broadcast_in_dim3A_541] : memref<64x128xf32, #tpu.memory_space<vmem>>[vector<16xi32>, vector<16xi32>], vector<16xf32>,
      tpu.vector_store_idx %arg7[%broadcast_in_dim3A_544, %add3A_565], %gather3A_571 : memref<256x64xf32, #tpu.memory_space<vmem>>[vector<16xi32>, vector<16xi32>], vector<16xf32>,
      %add3A_572 = arith.constant 48 : i32
      %add3A_573 = vector.broadcast %add3A_572 : i32 to vector<16xi32>
      %add3A_574 = arith.addi %add3A_573, %iota3A : vector<16xi32>
      %gather3A_575 = arith.constant 6 : i32
      %gather3A_576 = arith.constant 0 : i32
      %gather3A_577 = arith.constant 0 : i32
      %gather3A_578 = tpu.memref_slice %arg6[%gather3A_575, %gather3A_576, %gather3A_577] : memref<8x64x128xf32, #tpu.memory_space<vmem>> -> memref<1x64x128xf32, #tpu.memory_space<vmem>>
      %gather3A_579 = tpu.memref_squeeze %gather3A_578 : memref<1x64x128xf32, #tpu.memory_space<vmem>> -> memref<64x128xf32, #tpu.memory_space<vmem>>
      %gather3A_580 = tpu.vector_load_idx %gather3A_579[%add3A_574, %broadcast_in_dim3A_541] : memref<64x128xf32, #tpu.memory_space<vmem>>[vector<16xi32>, vector<16xi32>], vector<16xf32>,
      tpu.vector_store_idx %arg7[%broadcast_in_dim3A_544, %add3A_574], %gather3A_580 : memref<256x64xf32, #tpu.memory_space<vmem>>[vector<16xi32>, vector<16xi32>], vector<16xf32>,
      %lt3A_581 = arith.constant 504 : i32
      %lt3A_582 = arith.cmpi slt, %add3A_534, %lt3A_581 : i32
      %convert_element_type3A_583 = arith.extui %lt3A_582 : i1 to i32
      %cond3A_584 = arith.constant 0 : i32
      %cond3A_585 = arith.cmpi ne, %convert_element_type3A_583, %cond3A_584 : i32
      scf.if %cond3A_585 {
        %add3A_641 = arith.constant 8 : i32
        %add3A_642 = arith.addi %add3A_534, %add3A_641 : i32
        %get3A_643 = arith.index_cast %add3A_642 : i32 to index
        %get3A_644 = tpu.vector_load %arg5[%get3A_643] {strides = array<i32>} : memref<528xi32, #tpu.memory_space<vmem>>, vector<16xi32>,
        %slice3A_645 = vector.extract_strided_slice %get3A_644 {offsets = [0], sizes = [1], strides = [1]} : vector<16xi32> to vector<1xi32>
        %squeeze3A_646 = vector.extract %slice3A_645[0] : i32 from vector<1xi32>
        %shift_right_arithmetic3A_647 = arith.constant 7 : i32
        %shift_right_arithmetic3A_648 = arith.shrsi %squeeze3A_646, %shift_right_arithmetic3A_647 : i32
        %mul3A_649 = arith.constant 128 : i32
        %mul3A_650 = arith.muli %shift_right_arithmetic3A_648, %mul3A_649 : i32
        %dma_start3A_651 = arith.constant 6 : i32
        %dma_start3A_652 = arith.constant 0 : i32
        %dma_start3A_653 = arith.constant 0 : i32
        %dma_start3A_654 = tpu.memref_slice %arg6[%dma_start3A_651, %dma_start3A_652, %dma_start3A_653] : memref<8x64x128xf32, #tpu.memory_space<vmem>> -> memref<1x64x128xf32, #tpu.memory_space<vmem>>
        %dma_start3A_655 = tpu.memref_squeeze %dma_start3A_654 : memref<1x64x128xf32, #tpu.memory_space<vmem>> -> memref<64x128xf32, #tpu.memory_space<vmem>>
        %dma_start3A_656 = arith.constant 0 : i32
        %dma_start3A_657 = tpu.memref_slice %arg2[%dma_start3A_656, %mul3A_650] : memref<64x1000000xf32, #tpu.memory_space<hbm>> -> memref<64x128xf32, #tpu.memory_space<hbm>>
        %dma_start3A_658 = arith.constant 0 : i32
        %dma_start3A_659 = arith.constant 0 : i32
        %dma_start3A_660 = tpu.memref_slice %arg6[%dma_start3A_651, %dma_start3A_658, %dma_start3A_659] : memref<8x64x128xf32, #tpu.memory_space<vmem>> -> memref<1x64x128xf32, #tpu.memory_space<vmem>>
        %dma_start3A_661 = tpu.memref_squeeze %dma_start3A_660 : memref<1x64x128xf32, #tpu.memory_space<vmem>> -> memref<64x128xf32, #tpu.memory_space<vmem>>
        %dma_start3A_662 = arith.constant 0 : i32
        %dma_start3A_663 = tpu.memref_slice %arg2[%dma_start3A_662, %mul3A_650] : memref<64x1000000xf32, #tpu.memory_space<hbm>> -> memref<64x128xf32, #tpu.memory_space<hbm>>
        tpu.enqueue_dma source(%dma_start3A_663 : memref<64x128xf32, #tpu.memory_space<hbm>>) target(%dma_start3A_661 : memref<64x128xf32, #tpu.memory_space<vmem>>) target_semaphore(%arg8 : memref<!tpu.dma_semaphore, #tpu.memory_space<semaphore_mem>>)
      } else {
      }
      %mul3A_586 = arith.constant 8 : i32
      %mul3A_587 = arith.muli %scan3A_179, %mul3A_586 : i32
      %add3A_588 = arith.constant 7 : i32
      %add3A_589 = arith.addi %mul3A_587, %add3A_588 : i32
      %get3A_590 = arith.index_cast %add3A_589 : i32 to index
      %get3A_591 = tpu.vector_load %arg5[%get3A_590] {strides = array<i32>} : memref<528xi32, #tpu.memory_space<vmem>>, vector<16xi32>,
      %slice3A_592 = vector.extract_strided_slice %get3A_591 {offsets = [0], sizes = [1], strides = [1]} : vector<16xi32> to vector<1xi32>
      %squeeze3A_593 = vector.extract %slice3A_592[0] : i32 from vector<1xi32>
      %and3A_594 = arith.constant 127 : i32
      %and3A_595 = arith.andi %squeeze3A_593, %and3A_594 : i32
      %broadcast_in_dim3A_596 = vector.broadcast %and3A_595 : i32 to vector<16xi32>
      %and3A_597 = arith.constant 255 : i32
      %and3A_598 = arith.andi %add3A_589, %and3A_597 : i32
      %broadcast_in_dim3A_599 = vector.broadcast %and3A_598 : i32 to vector<16xi32>
      %add3A_600 = arith.constant 0 : i32
      %add3A_601 = vector.broadcast %add3A_600 : i32 to vector<16xi32>
      %add3A_602 = arith.addi %add3A_601, %iota3A : vector<16xi32>
      %gather3A_603 = arith.constant 7 : i32
      %gather3A_604 = arith.constant 0 : i32
      %gather3A_605 = arith.constant 0 : i32
      %gather3A_606 = tpu.memref_slice %arg6[%gather3A_603, %gather3A_604, %gather3A_605] : memref<8x64x128xf32, #tpu.memory_space<vmem>> -> memref<1x64x128xf32, #tpu.memory_space<vmem>>
      %gather3A_607 = tpu.memref_squeeze %gather3A_606 : memref<1x64x128xf32, #tpu.memory_space<vmem>> -> memref<64x128xf32, #tpu.memory_space<vmem>>
      %gather3A_608 = tpu.vector_load_idx %gather3A_607[%add3A_602, %broadcast_in_dim3A_596] : memref<64x128xf32, #tpu.memory_space<vmem>>[vector<16xi32>, vector<16xi32>], vector<16xf32>,
      tpu.vector_store_idx %arg7[%broadcast_in_dim3A_599, %add3A_602], %gather3A_608 : memref<256x64xf32, #tpu.memory_space<vmem>>[vector<16xi32>, vector<16xi32>], vector<16xf32>,
      %add3A_609 = arith.constant 16 : i32
      %add3A_610 = vector.broadcast %add3A_609 : i32 to vector<16xi32>
      %add3A_611 = arith.addi %add3A_610, %iota3A : vector<16xi32>
      %gather3A_612 = arith.constant 7 : i32
      %gather3A_613 = arith.constant 0 : i32
      %gather3A_614 = arith.constant 0 : i32
      %gather3A_615 = tpu.memref_slice %arg6[%gather3A_612, %gather3A_613, %gather3A_614] : memref<8x64x128xf32, #tpu.memory_space<vmem>> -> memref<1x64x128xf32, #tpu.memory_space<vmem>>
      %gather3A_616 = tpu.memref_squeeze %gather3A_615 : memref<1x64x128xf32, #tpu.memory_space<vmem>> -> memref<64x128xf32, #tpu.memory_space<vmem>>
      %gather3A_617 = tpu.vector_load_idx %gather3A_616[%add3A_611, %broadcast_in_dim3A_596] : memref<64x128xf32, #tpu.memory_space<vmem>>[vector<16xi32>, vector<16xi32>], vector<16xf32>,
      tpu.vector_store_idx %arg7[%broadcast_in_dim3A_599, %add3A_611], %gather3A_617 : memref<256x64xf32, #tpu.memory_space<vmem>>[vector<16xi32>, vector<16xi32>], vector<16xf32>,
      %add3A_618 = arith.constant 32 : i32
      %add3A_619 = vector.broadcast %add3A_618 : i32 to vector<16xi32>
      %add3A_620 = arith.addi %add3A_619, %iota3A : vector<16xi32>
      %gather3A_621 = arith.constant 7 : i32
      %gather3A_622 = arith.constant 0 : i32
      %gather3A_623 = arith.constant 0 : i32
      %gather3A_624 = tpu.memref_slice %arg6[%gather3A_621, %gather3A_622, %gather3A_623] : memref<8x64x128xf32, #tpu.memory_space<vmem>> -> memref<1x64x128xf32, #tpu.memory_space<vmem>>
      %gather3A_625 = tpu.memref_squeeze %gather3A_624 : memref<1x64x128xf32, #tpu.memory_space<vmem>> -> memref<64x128xf32, #tpu.memory_space<vmem>>
      %gather3A_626 = tpu.vector_load_idx %gather3A_625[%add3A_620, %broadcast_in_dim3A_596] : memref<64x128xf32, #tpu.memory_space<vmem>>[vector<16xi32>, vector<16xi32>], vector<16xf32>,
      tpu.vector_store_idx %arg7[%broadcast_in_dim3A_599, %add3A_620], %gather3A_626 : memref<256x64xf32, #tpu.memory_space<vmem>>[vector<16xi32>, vector<16xi32>], vector<16xf32>,
      %add3A_627 = arith.constant 48 : i32
      %add3A_628 = vector.broadcast %add3A_627 : i32 to vector<16xi32>
      %add3A_629 = arith.addi %add3A_628, %iota3A : vector<16xi32>
      %gather3A_630 = arith.constant 7 : i32
      %gather3A_631 = arith.constant 0 : i32
      %gather3A_632 = arith.constant 0 : i32
      %gather3A_633 = tpu.memref_slice %arg6[%gather3A_630, %gather3A_631, %gather3A_632] : memref<8x64x128xf32, #tpu.memory_space<vmem>> -> memref<1x64x128xf32, #tpu.memory_space<vmem>>
      %gather3A_634 = tpu.memref_squeeze %gather3A_633 : memref<1x64x128xf32, #tpu.memory_space<vmem>> -> memref<64x128xf32, #tpu.memory_space<vmem>>
      %gather3A_635 = tpu.vector_load_idx %gather3A_634[%add3A_629, %broadcast_in_dim3A_596] : memref<64x128xf32, #tpu.memory_space<vmem>>[vector<16xi32>, vector<16xi32>], vector<16xf32>,
      tpu.vector_store_idx %arg7[%broadcast_in_dim3A_599, %add3A_629], %gather3A_635 : memref<256x64xf32, #tpu.memory_space<vmem>>[vector<16xi32>, vector<16xi32>], vector<16xf32>,
      %lt3A_636 = arith.constant 504 : i32
      %lt3A_637 = arith.cmpi slt, %add3A_589, %lt3A_636 : i32
      %convert_element_type3A_638 = arith.extui %lt3A_637 : i1 to i32
      %cond3A_639 = arith.constant 0 : i32
      %cond3A_640 = arith.cmpi ne, %convert_element_type3A_638, %cond3A_639 : i32
      scf.if %cond3A_640 {
        %add3A_641 = arith.constant 8 : i32
        %add3A_642 = arith.addi %add3A_589, %add3A_641 : i32
        %get3A_643 = arith.index_cast %add3A_642 : i32 to index
        %get3A_644 = tpu.vector_load %arg5[%get3A_643] {strides = array<i32>} : memref<528xi32, #tpu.memory_space<vmem>>, vector<16xi32>,
        %slice3A_645 = vector.extract_strided_slice %get3A_644 {offsets = [0], sizes = [1], strides = [1]} : vector<16xi32> to vector<1xi32>
        %squeeze3A_646 = vector.extract %slice3A_645[0] : i32 from vector<1xi32>
        %shift_right_arithmetic3A_647 = arith.constant 7 : i32
        %shift_right_arithmetic3A_648 = arith.shrsi %squeeze3A_646, %shift_right_arithmetic3A_647 : i32
        %mul3A_649 = arith.constant 128 : i32
        %mul3A_650 = arith.muli %shift_right_arithmetic3A_648, %mul3A_649 : i32
        %dma_start3A_651 = arith.constant 7 : i32
        %dma_start3A_652 = arith.constant 0 : i32
        %dma_start3A_653 = arith.constant 0 : i32
        %dma_start3A_654 = tpu.memref_slice %arg6[%dma_start3A_651, %dma_start3A_652, %dma_start3A_653] : memref<8x64x128xf32, #tpu.memory_space<vmem>> -> memref<1x64x128xf32, #tpu.memory_space<vmem>>
        %dma_start3A_655 = tpu.memref_squeeze %dma_start3A_654 : memref<1x64x128xf32, #tpu.memory_space<vmem>> -> memref<64x128xf32, #tpu.memory_space<vmem>>
        %dma_start3A_656 = arith.constant 0 : i32
        %dma_start3A_657 = tpu.memref_slice %arg2[%dma_start3A_656, %mul3A_650] : memref<64x1000000xf32, #tpu.memory_space<hbm>> -> memref<64x128xf32, #tpu.memory_space<hbm>>
        %dma_start3A_658 = arith.constant 0 : i32
        %dma_start3A_659 = arith.constant 0 : i32
        %dma_start3A_660 = tpu.memref_slice %arg6[%dma_start3A_651, %dma_start3A_658, %dma_start3A_659] : memref<8x64x128xf32, #tpu.memory_space<vmem>> -> memref<1x64x128xf32, #tpu.memory_space<vmem>>
        %dma_start3A_661 = tpu.memref_squeeze %dma_start3A_660 : memref<1x64x128xf32, #tpu.memory_space<vmem>> -> memref<64x128xf32, #tpu.memory_space<vmem>>
        %dma_start3A_662 = arith.constant 0 : i32
        %dma_start3A_663 = tpu.memref_slice %arg2[%dma_start3A_662, %mul3A_650] : memref<64x1000000xf32, #tpu.memory_space<hbm>> -> memref<64x128xf32, #tpu.memory_space<hbm>>
        tpu.enqueue_dma source(%dma_start3A_663 : memref<64x128xf32, #tpu.memory_space<hbm>>) target(%dma_start3A_661 : memref<64x128xf32, #tpu.memory_space<vmem>>) target_semaphore(%arg8 : memref<!tpu.dma_semaphore, #tpu.memory_space<semaphore_mem>>)
      } else {
      }
    }
    %scan3A_176 = arith.constant 32 : i32
    %add3A_177 = arith.constant 256 : i32
    %add3A_178 = arith.addi %mul3A_2, %add3A_177 : i32
    "tpu.region"() ({
      %run_scoped3A = tpu.sem_alloc : memref<!tpu.dma_semaphore, #tpu.memory_space<semaphore_mem>>
      %dma_start3A_179 = arith.constant 0 : i32
      %dma_start3A_180 = tpu.memref_slice %arg4[%add3A_178, %dma_start3A_179] : memref<16384x64xf32, #tpu.memory_space<hbm>> -> memref<256x64xf32, #tpu.memory_space<hbm>>
      %dma_start3A_181 = arith.constant 0 : i32
      %dma_start3A_182 = tpu.memref_slice %arg4[%add3A_178, %dma_start3A_181] : memref<16384x64xf32, #tpu.memory_space<hbm>> -> memref<256x64xf32, #tpu.memory_space<hbm>>
      tpu.enqueue_dma source(%arg7 : memref<256x64xf32, #tpu.memory_space<vmem>>) target(%dma_start3A_182 : memref<256x64xf32, #tpu.memory_space<hbm>>) target_semaphore(%run_scoped3A : memref<!tpu.dma_semaphore, #tpu.memory_space<semaphore_mem>>)
      %dma_wait3A = arith.constant 0 : i32
      %dma_wait3A_183 = tpu.memref_slice %arg4[%add3A_178, %dma_wait3A] : memref<16384x64xf32, #tpu.memory_space<hbm>> -> memref<256x64xf32, #tpu.memory_space<hbm>>
      %dma_wait3A_184 = arith.constant 0 : i32
      %dma_wait3A_185 = tpu.memref_slice %arg4[%add3A_178, %dma_wait3A_184] : memref<16384x64xf32, #tpu.memory_space<hbm>> -> memref<256x64xf32, #tpu.memory_space<hbm>>
      tpu.wait_dma2 semaphore(%run_scoped3A : memref<!tpu.dma_semaphore, #tpu.memory_space<semaphore_mem>>) src(%arg7 : memref<256x64xf32, #tpu.memory_space<vmem>>) dst(%dma_wait3A_185 : memref<256x64xf32, #tpu.memory_space<hbm>>)
      tpu.yield
    }) : () -> ()
    return
  }
}

</mosaic_0001>

<sc_bundles>
// kernel: kernel.3.cloned.1.call-start
scs
__scs_entry_jumppad:
0x0: {  	(pc) =	sbr.rel $0x88, $3  }
0x1: {  	(tag) =	ssettag $0x0;
	lr =	simm.s32 $0x1  }
0x2: {  	[smem:$0x3F9F] =	sst lr;
	_ =	strace $0xD0000000  }
0x3: {  	_ = 	snop  }
0x4: {  	_ = 	snop  }
0x5: {  	_ = 	snop  }
0x6: {  	_ = 	snop  }
0x7: {  	_ = 	snop  }
__scs_overlays_trampoline_lowered:
0x8: {  	[smem:$0x3FAE] =	sst s0  }
0x9: {  	[smem:$0x3FAF] =	sst s1  }
0xa: {  	[smem:$0x3FB0] =	sst s2  }
0xb: {  	[smem:$0x3FB1] =	sst s3  }
0xc: {  	[smem:$0x3FB2] =	sst s4  }
0xd: {  	[smem:$0x3FB3] =	sst s5  }
0xe: {  	[smem:$0x3FB4] =	sst s6  }
0xf: {  	[smem:$0x3FB5] =	sst s7  }
0x10: {  	[smem:$0x3FB6] =	sst s8  }
0x11: {  	[smem:$0x3FB7] =	sst s9;
	s0 =	simm.s32 @!p0 $0x0  }
0x12: {  	s1 =	sld [smem:$0x3F9D];
	s0 =	simm.s32 @p0 $0x1  }
0x13: {  	[smem:$0x3FB8] =	sst s0;
	s0 =	simm.s32 @!p1 $0x0  }
0x14: {  	s2 =	sld [smem:$0x3F9C];
	s0 =	simm.s32 @p1 $0x1  }
0x15: {  	[smem:$0x3FB9] =	sst s0;
	s0 =	simm.s32 @!p2 $0x0  }
0x16: {  	s3 =	sld [smem:$0x3FDB];
	s0 =	simm.s32 @p2 $0x1  }
0x17: {  	s4 =	simm.s32 $0x1BF5;
	[smem:$0x3FBB] =	sst s0  }
0x18: {  	s0 =	sld [smem:$0x3F9E];
	_ =	swait.ge [sflag:s4], $0x0  }
0x19: {  	s7 =	sld [smem:$0x3F9F]  }
0x1a: {  	s8 =	sadd.s32 $0xFFFFE003, lr  }
0x1b: {  	s9 =	sadd.s32 $0xFFFFFEF7, lr;
	s5 =	simm.s32 $0xFFFFFFFF;
	p2 =	slt.u32 s8, $0xFFFFF086  }
0x1c: {  	p1 =	slt.u32 s9, $0xF7A;
	s5 =	simm.s32 @!p2 $0x0  }
0x1d: {  	s5 =	simm.s32 @p1 $0x1;
	p0 =	seq.s32 s7, s2  }
0x1e: {  	s7 =	smul.u32 @!p0 $0xF7A, s2;
	p2 =	seq.s32 @!p0 s5, $0x0  }
0x1f: {  	s9 =	smul.u32 $0xF7A, s1;
	s8 =	simm.s32 @!p0 $0x1BF5;
	p2 =	por !p2, p0  }
0x20: {  	[sflag:s8] =	ssyncset.s32 @!p0 $0xFFFFF086;
	s6 =	sadd.s32 @!p0 s3, s7;
	s7 =	simm.s32 @!p0 $0x108  }
0x21: {  	s3 =	sadd.s32 s3, s9;
	s6 =	sadd.s32 @!p0 $0x88, s6;
	s7 =	simm.s32 @p2 $0x1082  }
0x22: {  	[simem:s7], [sflag:s8] =	dma.local @!p0 [hbm:s6], $0xF7A  }
0x23: {  	s9 =	sor.u32 $0xD0000000, s2;
	s6 =	simm.s32 $0x108;
	_ =	swait.ge @!p0 [sflag:s8], $0x0  }
0x24: {  	s3 =	sadd.s32 $0x88, s3;
	s6 =	simm.s32 @!p1 $0x1082;
	[sflag:s4] =	ssyncset.s32 $0xFFFFF086  }
0x25: {  	[simem:s6], [sflag:s4] =	dma.local [hbm:s3], $0xF7A  }
0x26: {  	[smem:$0x3F9F] =	sst s1;
	(tag) =	ssettag s2;
	_ =	strace s9  }
0x27: {  	s1 =	sld [smem:$0x3FAF]  }
0x28: {  	s2 =	sld [smem:$0x3FB0]  }
0x29: {  	s4 =	sld [smem:$0x3FB2]  }
0x2a: {  	p0 =	seq.s32 s5, $0x0;
	s5 =	sld [smem:$0x3FB3]  }
0x2b: {  	s6 =	sld [smem:$0x3FB4]  }
0x2c: {  	s7 =	sld [smem:$0x3FB5]  }
0x2d: {  	s3 =	simm.s32 $0x108;
	s8 =	sld [smem:$0x3FB6]  }
0x2e: {  	s3 =	simm.s32 @!p0 $0x1082;
	s9 =	sld [smem:$0x3FB7]  }
0x2f: {  	lr =	sadd.s32 s0, s3;
	s0 =	sld [smem:$0x3FAE]  }
0x30: {  	s3 =	sld [smem:$0x3FB1]  }
0x31: {  	[smem:$0x3FBA] =	sst s10  }
0x32: {  	s10 =	sld [smem:$0x3FB8];
	_ =	sdelay $0x3  }
0x33: {  	p0 =	seq.s32 s10, $0x1;
	s10 =	sld [smem:$0x3FBA];
	_ =	sdelay $0x3  }
0x34: {  	[smem:$0x3FBA] =	sst s10  }
0x35: {  	s10 =	sld [smem:$0x3FB9];
	_ =	sdelay $0x3  }
0x36: {  	p1 =	seq.s32 s10, $0x1;
	s10 =	sld [smem:$0x3FBA];
	_ =	sdelay $0x3  }
0x37: {  	[smem:$0x3FBA] =	sst s10  }
0x38: {  	s10 =	sld [smem:$0x3FBB]  }
0x39: {  	_ = 	snop;
	(pc) =	sbr.ind lr, $3  }
0x3a: {  	_ = 	snop  }
0x3b: {  	_ = 	snop  }
0x3c: {  	p2 =	seq.s32 s10, $0x1;
	s10 =	sld [smem:$0x3FBA]  }
0x3d: {  	_ =	shalt  }
0x3e: {  	_ =	shalt  }
0x3f: {  	_ =	shalt  }
0x40: {  	_ =	shalt  }
0x41: {  	_ =	shalt  }
0x42: {  	_ =	shalt  }
0x43: {  	_ =	shalt  }
0x44: {  	_ =	shalt  }
0x45: {  	_ =	shalt  }
0x46: {  	_ =	shalt  }
0x47: {  	_ =	shalt  }
0x48: {  	_ =	shalt  }
0x49: {  	_ =	shalt  }
0x4a: {  	_ =	shalt  }
0x4b: {  	_ =	shalt  }
0x4c: {  	_ =	shalt  }
0x4d: {  	_ =	shalt  }
0x4e: {  	_ =	shalt  }
0x4f: {  	_ =	shalt  }
0x50: {  	_ =	shalt  }
0x51: {  	_ =	shalt  }
0x52: {  	_ =	shalt  }
0x53: {  	_ =	shalt  }
0x54: {  	_ =	shalt  }
0x55: {  	_ =	shalt  }
0x56: {  	_ =	shalt  }
0x57: {  	_ =	shalt  }
0x58: {  	_ =	shalt  }
0x59: {  	_ =	shalt  }
0x5a: {  	_ =	shalt  }
0x5b: {  	_ =	shalt  }
0x5c: {  	_ =	shalt  }
0x5d: {  	_ =	shalt  }
0x5e: {  	_ =	shalt  }
0x5f: {  	_ =	shalt  }
0x60: {  	_ =	shalt  }
0x61: {  	_ =	shalt  }
0x62: {  	_ =	shalt  }
0x63: {  	_ =	shalt  }
0x64: {  	_ =	shalt  }
0x65: {  	_ =	shalt  }
0x66: {  	_ =	shalt  }
0x67: {  	_ =	shalt  }
0x68: {  	_ =	shalt  }
0x69: {  	_ =	shalt  }
0x6a: {  	_ =	shalt  }
0x6b: {  	_ =	shalt  }
0x6c: {  	_ =	shalt  }
0x6d: {  	_ =	shalt  }
0x6e: {  	_ =	shalt  }
0x6f: {  	_ =	shalt  }
0x70: {  	_ =	shalt  }
0x71: {  	_ =	shalt  }
0x72: {  	_ =	shalt  }
0x73: {  	_ =	shalt  }
0x74: {  	_ =	shalt  }
0x75: {  	_ =	shalt  }
0x76: {  	_ =	shalt  }
0x77: {  	_ =	shalt  }
0x78: {  	_ =	shalt  }
0x79: {  	_ =	shalt  }
0x7a: {  	_ =	shalt  }
0x7b: {  	_ =	shalt  }
0x7c: {  	_ =	shalt  }
0x7d: {  	_ =	shalt  }
0x7e: {  	_ =	shalt  }
0x7f: {  	_ =	shalt  }
0x80: {  	_ =	shalt  }
0x81: {  	_ =	shalt  }
0x82: {  	_ =	shalt  }
0x83: {  	_ =	shalt  }
0x84: {  	_ =	shalt  }
0x85: {  	_ =	shalt  }
0x86: {  	_ =	shalt  }
0x87: {  	_ =	shalt  }
.Lfunc_end0:
.L_simem_size_0:
called_computation_lowered:
.L_overlay_start_0:
0x88: {  	s2 =	sld [smem:$0x3FD9]  }
0x89: {  	s3 =	sld [smem:$0x3FFE];
	_ =	sdelay $0x1  }
0x8a: {  	s1 =	srdreg.scid  }
0x8b: {  	s0 =	sand.u32 $0x1, s1  }
0x8c: {  	s17 =	sshll.u32 s0, $0xA;
	s2 =	sadd.s32 s3, s2  }
0x8d: {  	s2 =	sadd.s32 s2, s17  }
0x8e: {  	[smem:$0x3FC6] =	sst s2  }
0x8f: {  	_ = 	snop  }
0x90: {  	s2 =	sld [smem:$0x3FC9]  }
0x91: {  	s18 =	sld [smem:$0x3FC8];
	(tm) =	ssettm $0x1  }
0x92: {  	s4 =	sld [smem:$0x3FFB];
	_ =	sdelay $0x3  }
0x93: {  	_ =	strace s4  }
0x94: {  	s4 =	sld [smem:$0x3FFC];
	_ =	sdelay $0x3  }
0x95: {  	_ =	strace s4  }
0x96: {  	s4 =	sld [smem:$0x3FFD];
	_ =	sdelay $0x3  }
0x97: {  	_ =	strace s4  }
0x98: {  	_ =	strace $0x8FFFFFFF  }
0x99: {  	s19 =	sld [smem:$0x3FDB];
	_ =	sdelay $0x1  }
0x9a: {  	s5 =	simm.s32 $_scs_section_size  }
0x9b: {  	s6 =	simm.s32 $_size__tile_overlayer_lowered;
	s7 =	simm.s32 $_tile_overlayer_lowered  }
0x9c: {  	s22 =	simm.s32 $0x1BFF;
	s21 =	sshll.u32 s7, $0x1;
	s4 =	sadd.s32 s5, s19  }
0x9d: {  	s8 =	simm.s32 $0x0;
	s20 =	sshll.u32 s6, $0x1;
	s6 =	sadd.s32 s21, s4  }
0x9e: {  	[timem:s8], [sflag:s22] =	dma.local [hbm:s6], s20  }
0x9f: {  	_ =	swait.ge [sflag:s22], s20  }
0xa0: {  	s5 =	ssub.s32 $0x0, s20;
	[sflag:s22] =	ssyncset.done $0x0  }
0xa1: {  	[sflag:s22] =	ssyncadd.s32 s5;
	_ =	sdelay $0x1  }
0xa2: {  	s23 =	simm.s32 $0x1B8B  }
0xa3: {  	_ =	swait.ge [sflag:s23], $0x1  }
0xa4: {  	[sflag:s23] =	ssyncset.done $0x0  }
0xa5: {  	s25 =	simm.s32 $0x1B8E;
	s24 =	sld [smem:$0x3FFE];
	[sflag:s23] =	ssyncadd.s32 $0xFFFFFFFF  }
0xa6: {  	s26 =	simm.s32 $execute0_lowered;
	[smem:$0x3FD2] =	sst s25  }
0xa7: {  	s6 =	sshll.u32 s26, $0x1;
	_ =	strace $0x80000046;
	[dreg:$0x1] =	wrdreg $0xFFFFFFFF  }
0xa8: {  	s28 =	simm.s32 $_size_execute0_lowered;
	s4 =	sadd.s32 s4, s6;
	[dreg:$0x0] =	wrdreg $0x0  }
0xa9: {  	s6 =	sshll.u32 s28, $0x1;
	[dreg:$0x2] =	wrdreg s4  }
0xaa: {  	[dreg:$0x3] =	wrdreg s6  }
0xab: {  	[dreg:$0x4] =	wrdreg $0xC0  }
0xac: {  	_ =	task [dreg:s8], $0x5FFFF  }
0xad: {  	[dreg:$0x1] =	wrdreg $0xFFFFFFFF  }
0xae: {  	[dreg:$0x0] =	wrdreg $0x60  }
0xaf: {  	[dreg:$0x2] =	wrdreg s2  }
0xb0: {  	[dreg:$0x3] =	wrdreg s18  }
0xb1: {  	[dreg:$0x4] =	wrdreg s24  }
0xb2: {  	[dreg:$0x5] =	wrdreg $0x9  }
0xb3: {  	_ =	task.clear_ibuf [dreg:s8], $0x6FFFF;
	_ =	strace $0x90000046  }
0xb4: {  	s29 =	simm.s32 $0x9;
	_ =	strace $0x80000048  }
0xb5: {  	_ =	swait.ge [sflag:s29], $0x1  }
0xb6: {  	[sflag:s29] =	ssyncadd.s32 $0xFFFFFFFF  }
0xb7: {  	_ =	strace $0x90000048  }
0xb8: {  	_ =	sfence  }
0xb9: {  	s30 =	sld [smem:$0x0];
	_ =	sdelay $0x2  }
0xba: {  	s31 =	sshll.u32 s1, $0xD;
	s1 =	sshrl.u32 s1, $0x2  }
0xbb: {  	s3 =	sand.u32 $0x4000, s31;
	s1 =	sadd.s32 s1, s30  }
0xbc: {  	s0 =	sor.u32 s3, s0;
	s1 =	sshll.u32 s1, $0x11  }
0xbd: {  	s0 =	sor.u32 s1, s0  }
0xbe: {  	s0 =	sadd.s32 $0x8F2B, s0  }
0xbf: {  	[sflag:s0] =	ssyncadd.remote.s32 $0x1  }
0xc0: {  	_ =	sfence.sel $0xFFFF  }
0xc1: {  	[dreg:$0x0] =	wrdreg $0xFFFFFFFF;
	(pc) =	sbr.abs _section_cstart, $3  }
0xc2: {  	[dreg:$0x1] =	wrdreg $0xFFFFFFFF  }
0xc3: {  	_ =	task.clear_ibuf [dreg:s8], $0x2FFFF;
	_ =	strace $0x9FFFFFFF  }
0xc4: {  	(tm) =	ssettm $0x7FFFFFFF  }
0xc5: {  	_ =	shalt  }
tec
execute0_lowered:
.L_overlay_start_1:
0x0: {  	(tag) =	ssettag $0x1  }
0x1: {  	s1 =	rddreg [dreg:$0x0]  }
0x2: {  	s4 =	rddreg [dreg:$0x1]  }
0x3: {  	s5 =	rddreg [dreg:$0x2]  }
0x4: {  	s3 =	srdreg.scid;
	s0 =	rddreg [dreg:$0x3]  }
0x5: {  	s2 =	stileid.u32;
	s10 =	simm.s32 $0x7A1400;
	s11 =	simm.s32 $0x280  }
0x6: {  	s12 =	simm.s32 $0x2280;
	s13 =	simm.s32 $0x4280;
	s14 =	simm.s32 $0x6280  }
0x7: {  	s15 =	simm.s32 $0x8280;
	s16 =	simm.s32 $0xA280;
	s17 =	simm.s32 $0xC280  }
0x8: {  	s18 =	simm.s32 $0xE280;
	s19 =	simm.s32 $0x1;
	s20 =	simm.s32 $0x10280  }
0x9: {  	s21 =	simm.s32 $0x0;
	s6 =	sand.u32 $0x1, s3;
	s3 =	simm.s32 $0x0  }
0xa: {  	s7 =	sshll.u32 s2, $0xA;
	s8 =	sshll.u32 s6, $0x9;
	[smem:$0x7FF] =	sst s3  }
.Ltmp0:
0xb: {  	s6 =	ssub.s32 $0x2, s6;
	s7 =	sor.u32 s8, s7;
	(pc) =	sbr.rel .LBB2_1-.Ltmp0, $4  }
0xc: {  	v0 =	vlaneseq.u32;
	_ =	strace $0x80000047;
	s9 =	sshrl.u32 s6, $0x1;
	s8 =	sshll.u32 s7, $0x4  }
0xd: {  	v1 =	vmul.u32 $0x80, v0;
	s9 =	ssub.s32 s6, s9;
	s31 =	sshrl.u32 s7, $0x3;
	s8 =	sadd.s32 s8, s5  }
0xe: {  	v3 =	vor.u32 $0x10, v0;
	v5 =	vor.u32 $0x20, v0;
	v7 =	vor.u32 $0x30, v0;
	s4 =	sadd.s32 s4, s31;
	s7 =	smax.u32 s9, $0x1;
	s9 =	simm.s32 $0x400  }
0xf: {  	v2 =	vor.u32 $0x800, v1;
	v4 =	vor.u32 $0x1000, v1;
	v6 =	vor.u32 $0x1800, v1;
	s5 =	sadd.s32 $0x400, s8;
	s6 =	sadd.s32 $0x1400, s8;
	s8 =	simm.s32 $0x2  }
.LBB2_6:
0x10: {  	s21 =	sadd.s32 $0x1, s21  }
0x11: {  	p0 =	sne.s32 s21, s7  }
.Ltmp1:
0x12: {  	_ = 	snop;
	(pc) =	sbr.rel @!p0 .LBB2_7-.Ltmp1, $4  }
0x13: {  	[hbm4b:s6+s3] =	stream.linear.scatter [tilespmem:s20], [sflag:$0x2], $0x8000, $0x38;
	[tilespmem:$0x18280] =	vst v63  }
0x14: {  	_ =	swait.ge [sflag:s8], $0x8000  }
0x15: {  	[sflag:s8] =	ssyncset.done $0x0  }
0x16: {  	[sflag:s8] =	ssyncadd.s32 $0xFFFF8000  }
.LBB2_1:
0x17: {  	[tilespmem:s3], [sflag:$0x2] =	stream.linear.gather [hbm4b:s4+s3], $0x200, $0x38;
	[tilespmem:$0x18280] =	vst v63  }
0x18: {  	_ =	swait.ge [sflag:s8], $0x200  }
0x19: {  	[sflag:s8] =	ssyncset.done $0x0  }
0x1a: {  	[sflag:s8] =	ssyncadd.s32 $0xFFFFFE00  }
0x1b: {  	v8 =	vld [tilespmem:$0x0];
	_ =	sdelay $0x4  }
0x1c: {  	(v2sf) =	vpush v8, $0x0;
	_ =	sdelay $0xe  }
0x1d: {  	s22 =	spop (v2sf)  }
0x1e: {  	s22 =	sand.u32 $0xFFFFF80, s22  }
0x1f: {  	s22 =	sadd.s32 s1, s22  }
0x20: {  	[tilespmem:s11], [sflag:$0x1] =	stream.strided.gather [hbm4b:s22+s9], $0x2000, s10, s9, $0x38;
	[tilespmem:$0x18280] =	vst v63  }
0x21: {  	v8 =	vld [tilespmem:$0x1];
	_ =	sdelay $0x4  }
0x22: {  	(v2sf) =	vpush v8, $0x0;
	_ =	sdelay $0xe  }
0x23: {  	s24 =	spop (v2sf)  }
0x24: {  	s22 =	sand.u32 $0xFFFFF80, s24  }
0x25: {  	s22 =	sadd.s32 s1, s22  }
0x26: {  	[tilespmem:s12], [sflag:$0x1] =	stream.strided.gather [hbm4b:s22+s9], $0x2000, s10, s9, $0x38;
	[tilespmem:$0x18280] =	vst v63  }
0x27: {  	v8 =	vld [tilespmem:$0x2];
	_ =	sdelay $0x4  }
0x28: {  	(v2sf) =	vpush v8, $0x0;
	_ =	sdelay $0xe  }
0x29: {  	s25 =	spop (v2sf)  }
0x2a: {  	s22 =	sand.u32 $0xFFFFF80, s25  }
0x2b: {  	s22 =	sadd.s32 s1, s22  }
0x2c: {  	[tilespmem:s13], [sflag:$0x1] =	stream.strided.gather [hbm4b:s22+s9], $0x2000, s10, s9, $0x38;
	[tilespmem:$0x18280] =	vst v63  }
0x2d: {  	v8 =	vld [tilespmem:$0x3];
	_ =	sdelay $0x4  }
0x2e: {  	(v2sf) =	vpush v8, $0x0;
	_ =	sdelay $0xe  }
0x2f: {  	s26 =	spop (v2sf)  }
0x30: {  	s22 =	sand.u32 $0xFFFFF80, s26  }
0x31: {  	s22 =	sadd.s32 s1, s22  }
0x32: {  	[tilespmem:s14], [sflag:$0x1] =	stream.strided.gather [hbm4b:s22+s9], $0x2000, s10, s9, $0x38;
	[tilespmem:$0x18280] =	vst v63  }
0x33: {  	v8 =	vld [tilespmem:$0x4];
	_ =	sdelay $0x4  }
0x34: {  	(v2sf) =	vpush v8, $0x0;
	_ =	sdelay $0xe  }
0x35: {  	s28 =	spop (v2sf)  }
0x36: {  	s22 =	sand.u32 $0xFFFFF80, s28  }
0x37: {  	s22 =	sadd.s32 s1, s22  }
0x38: {  	[tilespmem:s15], [sflag:$0x1] =	stream.strided.gather [hbm4b:s22+s9], $0x2000, s10, s9, $0x38;
	[tilespmem:$0x18280] =	vst v63  }
0x39: {  	v8 =	vld [tilespmem:$0x5];
	_ =	sdelay $0x4  }
0x3a: {  	(v2sf) =	vpush v8, $0x0;
	_ =	sdelay $0xe  }
0x3b: {  	s29 =	spop (v2sf)  }
0x3c: {  	s22 =	sand.u32 $0xFFFFF80, s29  }
0x3d: {  	s22 =	sadd.s32 s1, s22  }
0x3e: {  	[tilespmem:s16], [sflag:$0x1] =	stream.strided.gather [hbm4b:s22+s9], $0x2000, s10, s9, $0x38;
	[tilespmem:$0x18280] =	vst v63  }
0x3f: {  	v8 =	vld [tilespmem:$0x6];
	_ =	sdelay $0x4  }
0x40: {  	(v2sf) =	vpush v8, $0x0;
	_ =	sdelay $0xe  }
0x41: {  	s30 =	spop (v2sf)  }
0x42: {  	s22 =	sand.u32 $0xFFFFF80, s30  }
0x43: {  	s22 =	sadd.s32 s1, s22  }
0x44: {  	[tilespmem:s17], [sflag:$0x1] =	stream.strided.gather [hbm4b:s22+s9], $0x2000, s10, s9, $0x38;
	[tilespmem:$0x18280] =	vst v63  }
0x45: {  	v8 =	vld [tilespmem:$0x7];
	_ =	sdelay $0x4  }
0x46: {  	(v2sf) =	vpush v8, $0x0;
	_ =	sdelay $0xe  }
0x47: {  	s31 =	spop (v2sf)  }
0x48: {  	s22 =	sand.u32 $0xFFFFF80, s31  }
0x49: {  	s22 =	sadd.s32 s1, s22  }
0x4a: {  	[tilespmem:s18], [sflag:$0x1] =	stream.strided.gather [hbm4b:s22+s9], $0x2000, s10, s9, $0x38;
	[tilespmem:$0x18280] =	vst v63  }
0x4b: {  	s23 =	simm.s32 $0x0;
	s22 =	simm.s32 $0x8  }
.LBB2_2:
0x4c: {  	_ =	swait.ge [sflag:s19], $0x8000  }
0x4d: {  	[sflag:s19] =	ssyncset.done $0x0  }
0x4e: {  	[sflag:s19] =	ssyncadd.s32 $0xFFFF8000  }
0x4f: {  	v8 =	vld [tilespmem:s22+$0xFFFFFFF8];
	_ =	sdelay $0x4  }
0x50: {  	(v2sf) =	vpush v8, $0x0;
	_ =	sdelay $0xe  }
0x51: {  	s24 =	spop (v2sf)  }
0x52: {  	s25 =	sand.u32 $0x7F, s24  }
0x53: {  	v8 =	vor.u32 s25, v1;
	_ =	sdelay $0x3  }
0x54: {  	s24 =	sshll.u32 s23, $0x7  }
0x55: {  	v9 =	vor.u32 s24, v0;
	v8 =	vld.idx.msk [tilespmem:v8+s11+$0x0], $0xffff  }
0x56: {  	v10 =	vor.u32 s25, v2;
	_ =	sdelay $0x3  }
0x57: {  	[tilespmem:v9+s20+$0x0] =	vst.idx.msk $0xffff, v8  }
0x58: {  	v62 =	vor.u32 s24, v3;
	v8 =	vld.idx.msk [tilespmem:v10+s11+$0x0], $0xffff  }
0x59: {  	v63 =	vor.u32 s25, v4;
	_ =	sdelay $0x3  }
0x5a: {  	[tilespmem:v62+s20+$0x0] =	vst.idx.msk $0xffff, v8  }
0x5b: {  	v12 =	vor.u32 s24, v5;
	v8 =	vld.idx.msk [tilespmem:v63+s11+$0x0], $0xffff  }
0x5c: {  	v13 =	vor.u32 s25, v6;
	_ =	sdelay $0x3  }
0x5d: {  	[tilespmem:v12+s20+$0x0] =	vst.idx.msk $0xffff, v8  }
0x5e: {  	v14 =	vor.u32 s24, v7;
	v8 =	vld.idx.msk [tilespmem:v13+s11+$0x0], $0xffff;
	_ =	sdelay $0x4  }
0x5f: {  	[tilespmem:v14+s20+$0x0] =	vst.idx.msk $0xffff, v8  }
0x60: {  	v8 =	vld [tilespmem:s22+$0x0];
	_ =	sdelay $0x4  }
0x61: {  	(v2sf) =	vpush v8, $0x0;
	_ =	sdelay $0xe  }
0x62: {  	s31 =	spop (v2sf)  }
0x63: {  	s25 =	sand.u32 $0xFFFFF80, s31  }
0x64: {  	s25 =	sadd.s32 s1, s25  }
0x65: {  	[tilespmem:s11], [sflag:$0x1] =	stream.strided.gather [hbm4b:s25+s9], $0x2000, s10, s9, $0x38;
	[tilespmem:$0x18280] =	vst v63  }
0x66: {  	v8 =	vld [tilespmem:s22+$0xFFFFFFF9];
	_ =	sdelay $0x4  }
0x67: {  	(v2sf) =	vpush v8, $0x0;
	_ =	sdelay $0xe  }
0x68: {  	s26 =	spop (v2sf)  }
0x69: {  	s25 =	sand.u32 $0x7F, s26  }
0x6a: {  	v8 =	vor.u32 s25, v1;
	_ =	sdelay $0x3  }
0x6b: {  	s26 =	sadd.s32 $0x80, s24  }
0x6c: {  	v15 =	vor.u32 s26, v0;
	v8 =	vld.idx.msk [tilespmem:v8+s12+$0x0], $0xffff  }
0x6d: {  	v16 =	vor.u32 s25, v2;
	_ =	sdelay $0x3  }
0x6e: {  	[tilespmem:v15+s20+$0x0] =	vst.idx.msk $0xffff, v8  }
0x6f: {  	v17 =	vor.u32 s26, v3;
	v8 =	vld.idx.msk [tilespmem:v16+s12+$0x0], $0xffff  }
0x70: {  	v18 =	vor.u32 s25, v4;
	_ =	sdelay $0x3  }
0x71: {  	[tilespmem:v17+s20+$0x0] =	vst.idx.msk $0xffff, v8  }
0x72: {  	v19 =	vor.u32 s26, v5;
	v8 =	vld.idx.msk [tilespmem:v18+s12+$0x0], $0xffff  }
0x73: {  	v20 =	vor.u32 s25, v6;
	_ =	sdelay $0x3  }
0x74: {  	[tilespmem:v19+s20+$0x0] =	vst.idx.msk $0xffff, v8  }
0x75: {  	v21 =	vor.u32 s26, v7;
	v8 =	vld.idx.msk [tilespmem:v20+s12+$0x0], $0xffff;
	_ =	sdelay $0x4  }
0x76: {  	[tilespmem:v21+s20+$0x0] =	vst.idx.msk $0xffff, v8  }
0x77: {  	v8 =	vld [tilespmem:s22+$0x1];
	_ =	sdelay $0x4  }
0x78: {  	(v2sf) =	vpush v8, $0x0;
	_ =	sdelay $0xe  }
0x79: {  	s28 =	spop (v2sf)  }
0x7a: {  	s25 =	sand.u32 $0xFFFFF80, s28  }
0x7b: {  	s25 =	sadd.s32 s1, s25  }
0x7c: {  	[tilespmem:s12], [sflag:$0x1] =	stream.strided.gather [hbm4b:s25+s9], $0x2000, s10, s9, $0x38;
	[tilespmem:$0x18280] =	vst v63  }
0x7d: {  	v8 =	vld [tilespmem:s22+$0xFFFFFFFA];
	_ =	sdelay $0x4  }
0x7e: {  	(v2sf) =	vpush v8, $0x0;
	_ =	sdelay $0xe  }
0x7f: {  	s29 =	spop (v2sf)  }
0x80: {  	s25 =	sand.u32 $0x7F, s29  }
0x81: {  	v8 =	vor.u32 s25, v1;
	_ =	sdelay $0x3  }
0x82: {  	s30 =	sadd.s32 $0x100, s24  }
0x83: {  	v22 =	vor.u32 s30, v0;
	v8 =	vld.idx.msk [tilespmem:v8+s13+$0x0], $0xffff  }
0x84: {  	v23 =	vor.u32 s25, v2;
	_ =	sdelay $0x3  }
0x85: {  	[tilespmem:v22+s20+$0x0] =	vst.idx.msk $0xffff, v8  }
0x86: {  	v24 =	vor.u32 s30, v3;
	v8 =	vld.idx.msk [tilespmem:v23+s13+$0x0], $0xffff  }
0x87: {  	v25 =	vor.u32 s25, v4;
	_ =	sdelay $0x3  }
0x88: {  	[tilespmem:v24+s20+$0x0] =	vst.idx.msk $0xffff, v8  }
0x89: {  	v26 =	vor.u32 s30, v5;
	v8 =	vld.idx.msk [tilespmem:v25+s13+$0x0], $0xffff  }
0x8a: {  	v27 =	vor.u32 s25, v6;
	_ =	sdelay $0x3  }
0x8b: {  	[tilespmem:v26+s20+$0x0] =	vst.idx.msk $0xffff, v8  }
0x8c: {  	v28 =	vor.u32 s30, v7;
	v8 =	vld.idx.msk [tilespmem:v27+s13+$0x0], $0xffff;
	_ =	sdelay $0x4  }
0x8d: {  	[tilespmem:v28+s20+$0x0] =	vst.idx.msk $0xffff, v8  }
0x8e: {  	v8 =	vld [tilespmem:s22+$0x2];
	_ =	sdelay $0x4  }
0x8f: {  	(v2sf) =	vpush v8, $0x0;
	_ =	sdelay $0xe  }
0x90: {  	s31 =	spop (v2sf)  }
0x91: {  	s25 =	sand.u32 $0xFFFFF80, s31  }
0x92: {  	s25 =	sadd.s32 s1, s25  }
0x93: {  	[tilespmem:s13], [sflag:$0x1] =	stream.strided.gather [hbm4b:s25+s9], $0x2000, s10, s9, $0x38;
	[tilespmem:$0x18280] =	vst v63  }
0x94: {  	v8 =	vld [tilespmem:s22+$0xFFFFFFFB];
	_ =	sdelay $0x4  }
0x95: {  	(v2sf) =	vpush v8, $0x0;
	_ =	sdelay $0xe  }
0x96: {  	s26 =	spop (v2sf)  }
0x97: {  	s25 =	sand.u32 $0x7F, s26  }
0x98: {  	v8 =	vor.u32 s25, v1;
	_ =	sdelay $0x3  }
0x99: {  	s28 =	sadd.s32 $0x180, s24  }
0x9a: {  	v29 =	vor.u32 s28, v0;
	v8 =	vld.idx.msk [tilespmem:v8+s14+$0x0], $0xffff  }
0x9b: {  	v30 =	vor.u32 s25, v2;
	_ =	sdelay $0x3  }
0x9c: {  	[tilespmem:v29+s20+$0x0] =	vst.idx.msk $0xffff, v8  }
0x9d: {  	v31 =	vor.u32 s28, v3;
	v8 =	vld.idx.msk [tilespmem:v30+s14+$0x0], $0xffff  }
0x9e: {  	v32 =	vor.u32 s25, v4;
	_ =	sdelay $0x3  }
0x9f: {  	[tilespmem:v31+s20+$0x0] =	vst.idx.msk $0xffff, v8  }
0xa0: {  	v33 =	vor.u32 s28, v5;
	v8 =	vld.idx.msk [tilespmem:v32+s14+$0x0], $0xffff  }
0xa1: {  	v34 =	vor.u32 s25, v6;
	_ =	sdelay $0x3  }
0xa2: {  	[tilespmem:v33+s20+$0x0] =	vst.idx.msk $0xffff, v8  }
0xa3: {  	v35 =	vor.u32 s28, v7;
	v8 =	vld.idx.msk [tilespmem:v34+s14+$0x0], $0xffff;
	_ =	sdelay $0x4  }
0xa4: {  	[tilespmem:v35+s20+$0x0] =	vst.idx.msk $0xffff, v8  }
0xa5: {  	v8 =	vld [tilespmem:s22+$0x3];
	_ =	sdelay $0x4  }
0xa6: {  	(v2sf) =	vpush v8, $0x0;
	_ =	sdelay $0xe  }
0xa7: {  	s29 =	spop (v2sf)  }
0xa8: {  	s25 =	sand.u32 $0xFFFFF80, s29  }
0xa9: {  	s25 =	sadd.s32 s1, s25  }
0xaa: {  	[tilespmem:s14], [sflag:$0x1] =	stream.strided.gather [hbm4b:s25+s9], $0x2000, s10, s9, $0x38;
	[tilespmem:$0x18280] =	vst v63  }
0xab: {  	_ =	swait.ge [sflag:s19], $0x8000  }
0xac: {  	[sflag:s19] =	ssyncset.done $0x0  }
0xad: {  	[sflag:s19] =	ssyncadd.s32 $0xFFFF8000  }
0xae: {  	v8 =	vld [tilespmem:s22+$0xFFFFFFFC];
	_ =	sdelay $0x4  }
0xaf: {  	(v2sf) =	vpush v8, $0x0;
	_ =	sdelay $0xe  }
0xb0: {  	s30 =	spop (v2sf)  }
0xb1: {  	s25 =	sand.u32 $0x7F, s30  }
0xb2: {  	v8 =	vor.u32 s25, v1;
	_ =	sdelay $0x3  }
0xb3: {  	s31 =	sadd.s32 $0x200, s24  }
0xb4: {  	v36 =	vor.u32 s31, v0;
	v8 =	vld.idx.msk [tilespmem:v8+s15+$0x0], $0xffff  }
0xb5: {  	v37 =	vor.u32 s25, v2;
	_ =	sdelay $0x3  }
0xb6: {  	[tilespmem:v36+s20+$0x0] =	vst.idx.msk $0xffff, v8  }
0xb7: {  	v38 =	vor.u32 s31, v3;
	v8 =	vld.idx.msk [tilespmem:v37+s15+$0x0], $0xffff  }
0xb8: {  	v39 =	vor.u32 s25, v4;
	_ =	sdelay $0x3  }
0xb9: {  	[tilespmem:v38+s20+$0x0] =	vst.idx.msk $0xffff, v8  }
0xba: {  	v40 =	vor.u32 s31, v5;
	v8 =	vld.idx.msk [tilespmem:v39+s15+$0x0], $0xffff  }
0xbb: {  	v41 =	vor.u32 s25, v6;
	_ =	sdelay $0x3  }
0xbc: {  	[tilespmem:v40+s20+$0x0] =	vst.idx.msk $0xffff, v8  }
0xbd: {  	v42 =	vor.u32 s31, v7;
	v8 =	vld.idx.msk [tilespmem:v41+s15+$0x0], $0xffff;
	_ =	sdelay $0x4  }
0xbe: {  	[tilespmem:v42+s20+$0x0] =	vst.idx.msk $0xffff, v8  }
0xbf: {  	v8 =	vld [tilespmem:s22+$0x4];
	_ =	sdelay $0x4  }
0xc0: {  	(v2sf) =	vpush v8, $0x0;
	_ =	sdelay $0xe  }
0xc1: {  	s28 =	spop (v2sf)  }
0xc2: {  	s25 =	sand.u32 $0xFFFFF80, s28  }
0xc3: {  	s25 =	sadd.s32 s1, s25  }
0xc4: {  	[tilespmem:s15], [sflag:$0x1] =	stream.strided.gather [hbm4b:s25+s9], $0x2000, s10, s9, $0x38;
	[tilespmem:$0x18280] =	vst v63  }
0xc5: {  	v8 =	vld [tilespmem:s22+$0xFFFFFFFD];
	_ =	sdelay $0x4  }
0xc6: {  	(v2sf) =	vpush v8, $0x0;
	_ =	sdelay $0xe  }
0xc7: {  	s29 =	spop (v2sf)  }
0xc8: {  	s25 =	sand.u32 $0x7F, s29  }
0xc9: {  	v8 =	vor.u32 s25, v1;
	_ =	sdelay $0x3  }
0xca: {  	s30 =	sadd.s32 $0x280, s24  }
0xcb: {  	v43 =	vor.u32 s30, v0;
	v8 =	vld.idx.msk [tilespmem:v8+s16+$0x0], $0xffff  }
0xcc: {  	v44 =	vor.u32 s25, v2;
	_ =	sdelay $0x3  }
0xcd: {  	[tilespmem:v43+s20+$0x0] =	vst.idx.msk $0xffff, v8  }
0xce: {  	v45 =	vor.u32 s30, v3;
	v8 =	vld.idx.msk [tilespmem:v44+s16+$0x0], $0xffff  }
0xcf: {  	v46 =	vor.u32 s25, v4;
	_ =	sdelay $0x3  }
0xd0: {  	[tilespmem:v45+s20+$0x0] =	vst.idx.msk $0xffff, v8  }
0xd1: {  	v47 =	vor.u32 s30, v5;
	v8 =	vld.idx.msk [tilespmem:v46+s16+$0x0], $0xffff  }
0xd2: {  	v48 =	vor.u32 s25, v6;
	_ =	sdelay $0x3  }
0xd3: {  	[tilespmem:v47+s20+$0x0] =	vst.idx.msk $0xffff, v8  }
0xd4: {  	v49 =	vor.u32 s30, v7;
	v8 =	vld.idx.msk [tilespmem:v48+s16+$0x0], $0xffff;
	_ =	sdelay $0x4  }
0xd5: {  	[tilespmem:v49+s20+$0x0] =	vst.idx.msk $0xffff, v8  }
0xd6: {  	v8 =	vld [tilespmem:s22+$0x5];
	_ =	sdelay $0x4  }
0xd7: {  	(v2sf) =	vpush v8, $0x0;
	_ =	sdelay $0xe  }
0xd8: {  	s31 =	spop (v2sf)  }
0xd9: {  	s25 =	sand.u32 $0xFFFFF80, s31  }
0xda: {  	s25 =	sadd.s32 s1, s25  }
0xdb: {  	[tilespmem:s16], [sflag:$0x1] =	stream.strided.gather [hbm4b:s25+s9], $0x2000, s10, s9, $0x38;
	[tilespmem:$0x18280] =	vst v63  }
0xdc: {  	v8 =	vld [tilespmem:s22+$0xFFFFFFFE];
	_ =	sdelay $0x4  }
0xdd: {  	(v2sf) =	vpush v8, $0x0;
	_ =	sdelay $0xe  }
0xde: {  	s26 =	spop (v2sf)  }
0xdf: {  	s25 =	sand.u32 $0x7F, s26  }
0xe0: {  	v8 =	vor.u32 s25, v1;
	_ =	sdelay $0x3  }
0xe1: {  	s28 =	sadd.s32 $0x300, s24  }
0xe2: {  	v50 =	vor.u32 s28, v0;
	v8 =	vld.idx.msk [tilespmem:v8+s17+$0x0], $0xffff  }
0xe3: {  	v51 =	vor.u32 s25, v2;
	_ =	sdelay $0x3  }
0xe4: {  	[tilespmem:v50+s20+$0x0] =	vst.idx.msk $0xffff, v8  }
0xe5: {  	v52 =	vor.u32 s28, v3;
	v8 =	vld.idx.msk [tilespmem:v51+s17+$0x0], $0xffff  }
0xe6: {  	v53 =	vor.u32 s25, v4;
	_ =	sdelay $0x3  }
0xe7: {  	[tilespmem:v52+s20+$0x0] =	vst.idx.msk $0xffff, v8  }
0xe8: {  	v54 =	vor.u32 s28, v5;
	v8 =	vld.idx.msk [tilespmem:v53+s17+$0x0], $0xffff  }
0xe9: {  	v55 =	vor.u32 s25, v6;
	_ =	sdelay $0x3  }
0xea: {  	[tilespmem:v54+s20+$0x0] =	vst.idx.msk $0xffff, v8  }
0xeb: {  	v56 =	vor.u32 s28, v7;
	v8 =	vld.idx.msk [tilespmem:v55+s17+$0x0], $0xffff;
	_ =	sdelay $0x4  }
0xec: {  	[tilespmem:v56+s20+$0x0] =	vst.idx.msk $0xffff, v8  }
0xed: {  	v8 =	vld [tilespmem:s22+$0x6];
	_ =	sdelay $0x4  }
0xee: {  	(v2sf) =	vpush v8, $0x0;
	_ =	sdelay $0xe  }
0xef: {  	s29 =	spop (v2sf)  }
0xf0: {  	s25 =	sand.u32 $0xFFFFF80, s29  }
0xf1: {  	s25 =	sadd.s32 s1, s25  }
0xf2: {  	[tilespmem:s17], [sflag:$0x1] =	stream.strided.gather [hbm4b:s25+s9], $0x2000, s10, s9, $0x38;
	[tilespmem:$0x18280] =	vst v63  }
0xf3: {  	v8 =	vld [tilespmem:s22+$0xFFFFFFFF];
	_ =	sdelay $0x4  }
0xf4: {  	(v2sf) =	vpush v8, $0x0;
	_ =	sdelay $0xe  }
0xf5: {  	s30 =	spop (v2sf)  }
0xf6: {  	s25 =	sand.u32 $0x7F, s30  }
0xf7: {  	v8 =	vor.u32 s25, v1;
	_ =	sdelay $0x3  }
0xf8: {  	s24 =	sadd.s32 $0x380, s24  }
0xf9: {  	v57 =	vor.u32 s24, v0;
	v8 =	vld.idx.msk [tilespmem:v8+s18+$0x0], $0xffff  }
0xfa: {  	v58 =	vor.u32 s25, v2;
	_ =	sdelay $0x3  }
0xfb: {  	[tilespmem:v57+s20+$0x0] =	vst.idx.msk $0xffff, v8  }
0xfc: {  	v59 =	vor.u32 s24, v3;
	v8 =	vld.idx.msk [tilespmem:v58+s18+$0x0], $0xffff  }
0xfd: {  	v60 =	vor.u32 s25, v4;
	_ =	sdelay $0x3  }
0xfe: {  	[tilespmem:v59+s20+$0x0] =	vst.idx.msk $0xffff, v8  }
0xff: {  	v61 =	vor.u32 s24, v5;
	v8 =	vld.idx.msk [tilespmem:v60+s18+$0x0], $0xffff  }
0x100: {  	v62 =	vor.u32 s25, v6;
	_ =	sdelay $0x3  }
0x101: {  	[tilespmem:v61+s20+$0x0] =	vst.idx.msk $0xffff, v8  }
0x102: {  	v63 =	vor.u32 s24, v7;
	v8 =	vld.idx.msk [tilespmem:v62+s18+$0x0], $0xffff;
	_ =	sdelay $0x4  }
0x103: {  	[tilespmem:v63+s20+$0x0] =	vst.idx.msk $0xffff, v8  }
0x104: {  	v8 =	vld [tilespmem:s22+$0x7];
	_ =	sdelay $0x4  }
0x105: {  	(v2sf) =	vpush v8, $0x0;
	_ =	sdelay $0xc  }
0x106: {  	p0 =	sne.s32 s23, $0xF8  }
.Ltmp2:
0x107: {  	_ = 	snop;
	(pc) =	sbr.rel @p0 .LBB2_2-.Ltmp2, $4  }
0x108: {  	s31 =	spop (v2sf)  }
0x109: {  	s24 =	sand.u32 $0xFFFFF80, s31  }
0x10a: {  	s23 =	sadd.s32 $0x8, s23;
	s22 =	sadd.s32 $0x8, s22;
	s24 =	sadd.s32 s1, s24  }
0x10b: {  	[tilespmem:s18], [sflag:$0x1] =	stream.strided.gather [hbm4b:s24+s9], $0x2000, s10, s9, $0x38;
	[tilespmem:$0x18280] =	vst v63  }
0x10c: {  	[hbm4b:s5+s3] =	stream.linear.scatter [tilespmem:s20], [sflag:$0x2], $0x8000, $0x38;
	[tilespmem:$0x18280] =	vst v63  }
0x10d: {  	_ =	swait.ge [sflag:s8], $0x8000  }
0x10e: {  	[sflag:s8] =	ssyncset.done $0x0  }
0x10f: {  	s22 =	simm.s32 $0x7;
	s23 =	simm.s32 $0x10F;
	[sflag:s8] =	ssyncadd.s32 $0xFFFF8000  }
.LBB2_4:
0x110: {  	_ =	swait.ge [sflag:s19], $0x8000  }
0x111: {  	[sflag:s19] =	ssyncset.done $0x0  }
0x112: {  	[sflag:s19] =	ssyncadd.s32 $0xFFFF8000  }
0x113: {  	v8 =	vld [tilespmem:s23+$0xFFFFFFF1];
	_ =	sdelay $0x4  }
0x114: {  	(v2sf) =	vpush v8, $0x0;
	_ =	sdelay $0xe  }
0x115: {  	s24 =	spop (v2sf)  }
0x116: {  	s25 =	sand.u32 $0x7F, s24  }
0x117: {  	v8 =	vor.u32 s25, v1;
	_ =	sdelay $0x2  }
0x118: {  	s24 =	sshll.u32 s22, $0x7  }
0x119: {  	s26 =	sadd.s32 $0xFFFFFC80, s24  }
0x11a: {  	v9 =	vor.u32 s26, v0;
	v8 =	vld.idx.msk [tilespmem:v8+s11+$0x0], $0xffff  }
0x11b: {  	v10 =	vor.u32 s25, v2;
	_ =	sdelay $0x3  }
0x11c: {  	[tilespmem:v9+s20+$0x0] =	vst.idx.msk $0xffff, v8  }
0x11d: {  	v62 =	vor.u32 s26, v3;
	v8 =	vld.idx.msk [tilespmem:v10+s11+$0x0], $0xffff  }
0x11e: {  	v63 =	vor.u32 s25, v4;
	_ =	sdelay $0x3  }
0x11f: {  	[tilespmem:v62+s20+$0x0] =	vst.idx.msk $0xffff, v8  }
0x120: {  	v12 =	vor.u32 s26, v5;
	v8 =	vld.idx.msk [tilespmem:v63+s11+$0x0], $0xffff  }
0x121: {  	v13 =	vor.u32 s25, v6;
	_ =	sdelay $0x3  }
0x122: {  	[tilespmem:v12+s20+$0x0] =	vst.idx.msk $0xffff, v8  }
0x123: {  	v14 =	vor.u32 s26, v7;
	v8 =	vld.idx.msk [tilespmem:v13+s11+$0x0], $0xffff;
	_ =	sdelay $0x4  }
0x124: {  	p0 =	seq.s32 s22, $0xFF;
	[tilespmem:v14+s20+$0x0] =	vst.idx.msk $0xffff, v8  }
0x125: {  	v8 =	vld @!p0 [tilespmem:s23+$0xFFFFFFF9];
	_ =	sdelay $0x4  }
0x126: {  	(v2sf) =	vpush @!p0 v8, $0x0;
	_ =	sdelay $0xe  }
0x127: {  	s25 =	spop @!p0 (v2sf)  }
0x128: {  	s29 =	simm.s32 @!p0 $0x280;
	s25 =	sand.u32 @!p0 $0xFFFFF80, s25  }
0x129: {  	s26 =	simm.s32 @!p0 $0x7A1400;
	s28 =	sadd.s32 @!p0 s1, s25;
	s25 =	simm.s32 @!p0 $0x400  }
0x12a: {  	[tilespmem:s29], [sflag:$0x1] =	stream.strided.gather @!p0 [hbm4b:s28+s25], $0x2000, s26, s25, $0x38;
	[tilespmem:$0x18280] =	vst v63  }
0x12b: {  	v8 =	vld [tilespmem:s23+$0xFFFFFFF2];
	_ =	sdelay $0x4  }
0x12c: {  	(v2sf) =	vpush v8, $0x0;
	_ =	sdelay $0xe  }
0x12d: {  	s30 =	spop (v2sf)  }
0x12e: {  	s28 =	sand.u32 $0x7F, s30  }
0x12f: {  	v8 =	vor.u32 s28, v1;
	_ =	sdelay $0x3  }
0x130: {  	s31 =	sadd.s32 $0xFFFFFD00, s24  }
0x131: {  	v15 =	vor.u32 s31, v0;
	v8 =	vld.idx.msk [tilespmem:v8+s12+$0x0], $0xffff  }
0x132: {  	v16 =	vor.u32 s28, v2;
	_ =	sdelay $0x3  }
0x133: {  	[tilespmem:v15+s20+$0x0] =	vst.idx.msk $0xffff, v8  }
0x134: {  	v17 =	vor.u32 s31, v3;
	v8 =	vld.idx.msk [tilespmem:v16+s12+$0x0], $0xffff  }
0x135: {  	v18 =	vor.u32 s28, v4;
	_ =	sdelay $0x3  }
0x136: {  	[tilespmem:v17+s20+$0x0] =	vst.idx.msk $0xffff, v8  }
0x137: {  	v19 =	vor.u32 s31, v5;
	v8 =	vld.idx.msk [tilespmem:v18+s12+$0x0], $0xffff  }
0x138: {  	v20 =	vor.u32 s28, v6;
	_ =	sdelay $0x3  }
0x139: {  	[tilespmem:v19+s20+$0x0] =	vst.idx.msk $0xffff, v8  }
0x13a: {  	v21 =	vor.u32 s31, v7;
	v8 =	vld.idx.msk [tilespmem:v20+s12+$0x0], $0xffff;
	_ =	sdelay $0x4  }
0x13b: {  	[tilespmem:v21+s20+$0x0] =	vst.idx.msk $0xffff, v8  }
0x13c: {  	v8 =	vld @!p0 [tilespmem:s23+$0xFFFFFFFA];
	_ =	sdelay $0x4  }
0x13d: {  	(v2sf) =	vpush @!p0 v8, $0x0;
	_ =	sdelay $0xe  }
0x13e: {  	s28 =	spop @!p0 (v2sf)  }
0x13f: {  	s28 =	sand.u32 @!p0 $0xFFFFF80, s28  }
0x140: {  	s29 =	simm.s32 @!p0 $0x2280;
	s28 =	sadd.s32 @!p0 s1, s28  }
0x141: {  	[tilespmem:s29], [sflag:$0x1] =	stream.strided.gather @!p0 [hbm4b:s28+s25], $0x2000, s26, s25, $0x38;
	[tilespmem:$0x18280] =	vst v63  }
0x142: {  	v8 =	vld [tilespmem:s23+$0xFFFFFFF3];
	_ =	sdelay $0x4  }
0x143: {  	(v2sf) =	vpush v8, $0x0;
	_ =	sdelay $0xe  }
0x144: {  	s30 =	spop (v2sf)  }
0x145: {  	s28 =	sand.u32 $0x7F, s30  }
0x146: {  	v8 =	vor.u32 s28, v1;
	_ =	sdelay $0x3  }
0x147: {  	s31 =	sadd.s32 $0xFFFFFD80, s24  }
0x148: {  	v22 =	vor.u32 s31, v0;
	v8 =	vld.idx.msk [tilespmem:v8+s13+$0x0], $0xffff  }
0x149: {  	v23 =	vor.u32 s28, v2;
	_ =	sdelay $0x3  }
0x14a: {  	[tilespmem:v22+s20+$0x0] =	vst.idx.msk $0xffff, v8  }
0x14b: {  	v24 =	vor.u32 s31, v3;
	v8 =	vld.idx.msk [tilespmem:v23+s13+$0x0], $0xffff  }
0x14c: {  	v25 =	vor.u32 s28, v4;
	_ =	sdelay $0x3  }
0x14d: {  	[tilespmem:v24+s20+$0x0] =	vst.idx.msk $0xffff, v8  }
0x14e: {  	v26 =	vor.u32 s31, v5;
	v8 =	vld.idx.msk [tilespmem:v25+s13+$0x0], $0xffff  }
0x14f: {  	v27 =	vor.u32 s28, v6;
	_ =	sdelay $0x3  }
0x150: {  	[tilespmem:v26+s20+$0x0] =	vst.idx.msk $0xffff, v8  }
0x151: {  	v28 =	vor.u32 s31, v7;
	v8 =	vld.idx.msk [tilespmem:v27+s13+$0x0], $0xffff;
	_ =	sdelay $0x4  }
0x152: {  	[tilespmem:v28+s20+$0x0] =	vst.idx.msk $0xffff, v8  }
0x153: {  	v8 =	vld @!p0 [tilespmem:s23+$0xFFFFFFFB];
	_ =	sdelay $0x4  }
0x154: {  	(v2sf) =	vpush @!p0 v8, $0x0;
	_ =	sdelay $0xe  }
0x155: {  	s28 =	spop @!p0 (v2sf)  }
0x156: {  	s28 =	sand.u32 @!p0 $0xFFFFF80, s28  }
0x157: {  	s29 =	simm.s32 @!p0 $0x4280;
	s28 =	sadd.s32 @!p0 s1, s28  }
0x158: {  	[tilespmem:s29], [sflag:$0x1] =	stream.strided.gather @!p0 [hbm4b:s28+s25], $0x2000, s26, s25, $0x38;
	[tilespmem:$0x18280] =	vst v63  }
0x159: {  	v8 =	vld [tilespmem:s23+$0xFFFFFFF4];
	_ =	sdelay $0x4  }
0x15a: {  	(v2sf) =	vpush v8, $0x0;
	_ =	sdelay $0xe  }
0x15b: {  	s30 =	spop (v2sf)  }
0x15c: {  	s28 =	sand.u32 $0x7F, s30  }
0x15d: {  	v8 =	vor.u32 s28, v1;
	_ =	sdelay $0x3  }
0x15e: {  	s31 =	sadd.s32 $0xFFFFFE00, s24  }
0x15f: {  	v29 =	vor.u32 s31, v0;
	v8 =	vld.idx.msk [tilespmem:v8+s14+$0x0], $0xffff  }
0x160: {  	v30 =	vor.u32 s28, v2;
	_ =	sdelay $0x3  }
0x161: {  	[tilespmem:v29+s20+$0x0] =	vst.idx.msk $0xffff, v8  }
0x162: {  	v31 =	vor.u32 s31, v3;
	v8 =	vld.idx.msk [tilespmem:v30+s14+$0x0], $0xffff  }
0x163: {  	v32 =	vor.u32 s28, v4;
	_ =	sdelay $0x3  }
0x164: {  	[tilespmem:v31+s20+$0x0] =	vst.idx.msk $0xffff, v8  }
0x165: {  	v33 =	vor.u32 s31, v5;
	v8 =	vld.idx.msk [tilespmem:v32+s14+$0x0], $0xffff  }
0x166: {  	v34 =	vor.u32 s28, v6;
	_ =	sdelay $0x3  }
0x167: {  	[tilespmem:v33+s20+$0x0] =	vst.idx.msk $0xffff, v8  }
0x168: {  	v35 =	vor.u32 s31, v7;
	v8 =	vld.idx.msk [tilespmem:v34+s14+$0x0], $0xffff;
	_ =	sdelay $0x4  }
0x169: {  	[tilespmem:v35+s20+$0x0] =	vst.idx.msk $0xffff, v8  }
0x16a: {  	v8 =	vld @!p0 [tilespmem:s23+$0xFFFFFFFC];
	_ =	sdelay $0x4  }
0x16b: {  	(v2sf) =	vpush @!p0 v8, $0x0;
	_ =	sdelay $0xe  }
0x16c: {  	s28 =	spop @!p0 (v2sf)  }
0x16d: {  	s28 =	sand.u32 @!p0 $0xFFFFF80, s28  }
0x16e: {  	s29 =	simm.s32 @!p0 $0x6280;
	s28 =	sadd.s32 @!p0 s1, s28  }
0x16f: {  	[tilespmem:s29], [sflag:$0x1] =	stream.strided.gather @!p0 [hbm4b:s28+s25], $0x2000, s26, s25, $0x38;
	[tilespmem:$0x18280] =	vst v63  }
0x170: {  	_ =	swait.ge [sflag:s19], $0x8000  }
0x171: {  	[sflag:s19] =	ssyncset.done $0x0  }
0x172: {  	[sflag:s19] =	ssyncadd.s32 $0xFFFF8000  }
0x173: {  	v8 =	vld [tilespmem:s23+$0xFFFFFFF5];
	_ =	sdelay $0x4  }
0x174: {  	(v2sf) =	vpush v8, $0x0;
	_ =	sdelay $0xe  }
0x175: {  	s30 =	spop (v2sf)  }
0x176: {  	s28 =	sand.u32 $0x7F, s30  }
0x177: {  	v8 =	vor.u32 s28, v1;
	_ =	sdelay $0x3  }
0x178: {  	s31 =	sadd.s32 $0xFFFFFE80, s24  }
0x179: {  	v36 =	vor.u32 s31, v0;
	v8 =	vld.idx.msk [tilespmem:v8+s15+$0x0], $0xffff  }
0x17a: {  	v37 =	vor.u32 s28, v2;
	_ =	sdelay $0x3  }
0x17b: {  	[tilespmem:v36+s20+$0x0] =	vst.idx.msk $0xffff, v8  }
0x17c: {  	v38 =	vor.u32 s31, v3;
	v8 =	vld.idx.msk [tilespmem:v37+s15+$0x0], $0xffff  }
0x17d: {  	v39 =	vor.u32 s28, v4;
	_ =	sdelay $0x3  }
0x17e: {  	[tilespmem:v38+s20+$0x0] =	vst.idx.msk $0xffff, v8  }
0x17f: {  	v40 =	vor.u32 s31, v5;
	v8 =	vld.idx.msk [tilespmem:v39+s15+$0x0], $0xffff  }
0x180: {  	v41 =	vor.u32 s28, v6;
	_ =	sdelay $0x3  }
0x181: {  	[tilespmem:v40+s20+$0x0] =	vst.idx.msk $0xffff, v8  }
0x182: {  	v42 =	vor.u32 s31, v7;
	v8 =	vld.idx.msk [tilespmem:v41+s15+$0x0], $0xffff;
	_ =	sdelay $0x4  }
0x183: {  	[tilespmem:v42+s20+$0x0] =	vst.idx.msk $0xffff, v8  }
0x184: {  	v8 =	vld @!p0 [tilespmem:s23+$0xFFFFFFFD];
	_ =	sdelay $0x4  }
0x185: {  	(v2sf) =	vpush @!p0 v8, $0x0;
	_ =	sdelay $0xe  }
0x186: {  	s28 =	spop @!p0 (v2sf)  }
0x187: {  	s28 =	sand.u32 @!p0 $0xFFFFF80, s28  }
0x188: {  	s29 =	simm.s32 @!p0 $0x8280;
	s28 =	sadd.s32 @!p0 s1, s28  }
0x189: {  	[tilespmem:s29], [sflag:$0x1] =	stream.strided.gather @!p0 [hbm4b:s28+s25], $0x2000, s26, s25, $0x38;
	[tilespmem:$0x18280] =	vst v63  }
0x18a: {  	v8 =	vld [tilespmem:s23+$0xFFFFFFF6];
	_ =	sdelay $0x4  }
0x18b: {  	(v2sf) =	vpush v8, $0x0;
	_ =	sdelay $0xe  }
0x18c: {  	s30 =	spop (v2sf)  }
0x18d: {  	s28 =	sand.u32 $0x7F, s30  }
0x18e: {  	v8 =	vor.u32 s28, v1;
	_ =	sdelay $0x3  }
0x18f: {  	s31 =	sadd.s32 $0xFFFFFF00, s24  }
0x190: {  	v43 =	vor.u32 s31, v0;
	v8 =	vld.idx.msk [tilespmem:v8+s16+$0x0], $0xffff  }
0x191: {  	v44 =	vor.u32 s28, v2;
	_ =	sdelay $0x3  }
0x192: {  	[tilespmem:v43+s20+$0x0] =	vst.idx.msk $0xffff, v8  }
0x193: {  	v45 =	vor.u32 s31, v3;
	v8 =	vld.idx.msk [tilespmem:v44+s16+$0x0], $0xffff  }
0x194: {  	v46 =	vor.u32 s28, v4;
	_ =	sdelay $0x3  }
0x195: {  	[tilespmem:v45+s20+$0x0] =	vst.idx.msk $0xffff, v8  }
0x196: {  	v47 =	vor.u32 s31, v5;
	v8 =	vld.idx.msk [tilespmem:v46+s16+$0x0], $0xffff  }
0x197: {  	v48 =	vor.u32 s28, v6;
	_ =	sdelay $0x3  }
0x198: {  	[tilespmem:v47+s20+$0x0] =	vst.idx.msk $0xffff, v8  }
0x199: {  	v49 =	vor.u32 s31, v7;
	v8 =	vld.idx.msk [tilespmem:v48+s16+$0x0], $0xffff;
	_ =	sdelay $0x4  }
0x19a: {  	[tilespmem:v49+s20+$0x0] =	vst.idx.msk $0xffff, v8  }
0x19b: {  	v8 =	vld @!p0 [tilespmem:s23+$0xFFFFFFFE];
	_ =	sdelay $0x4  }
0x19c: {  	(v2sf) =	vpush @!p0 v8, $0x0;
	_ =	sdelay $0xe  }
0x19d: {  	s28 =	spop @!p0 (v2sf)  }
0x19e: {  	s28 =	sand.u32 @!p0 $0xFFFFF80, s28  }
0x19f: {  	s29 =	simm.s32 @!p0 $0xA280;
	s28 =	sadd.s32 @!p0 s1, s28  }
0x1a0: {  	[tilespmem:s29], [sflag:$0x1] =	stream.strided.gather @!p0 [hbm4b:s28+s25], $0x2000, s26, s25, $0x38;
	[tilespmem:$0x18280] =	vst v63  }
0x1a1: {  	v8 =	vld [tilespmem:s23+$0xFFFFFFF7];
	_ =	sdelay $0x4  }
0x1a2: {  	(v2sf) =	vpush v8, $0x0;
	_ =	sdelay $0xe  }
0x1a3: {  	s29 =	spop (v2sf)  }
0x1a4: {  	s28 =	sand.u32 $0x7F, s29  }
0x1a5: {  	v8 =	vor.u32 s28, v1;
	_ =	sdelay $0x3  }
0x1a6: {  	s30 =	sadd.s32 $0xFFFFFF80, s24  }
0x1a7: {  	v50 =	vor.u32 s30, v0;
	v8 =	vld.idx.msk [tilespmem:v8+s17+$0x0], $0xffff  }
0x1a8: {  	v51 =	vor.u32 s28, v2;
	_ =	sdelay $0x3  }
0x1a9: {  	[tilespmem:v50+s20+$0x0] =	vst.idx.msk $0xffff, v8  }
0x1aa: {  	v52 =	vor.u32 s30, v3;
	v8 =	vld.idx.msk [tilespmem:v51+s17+$0x0], $0xffff  }
0x1ab: {  	v53 =	vor.u32 s28, v4;
	_ =	sdelay $0x3  }
0x1ac: {  	[tilespmem:v52+s20+$0x0] =	vst.idx.msk $0xffff, v8  }
0x1ad: {  	v54 =	vor.u32 s30, v5;
	v8 =	vld.idx.msk [tilespmem:v53+s17+$0x0], $0xffff  }
0x1ae: {  	v55 =	vor.u32 s28, v6;
	_ =	sdelay $0x3  }
0x1af: {  	[tilespmem:v54+s20+$0x0] =	vst.idx.msk $0xffff, v8  }
0x1b0: {  	v56 =	vor.u32 s30, v7;
	v8 =	vld.idx.msk [tilespmem:v55+s17+$0x0], $0xffff;
	_ =	sdelay $0x4  }
0x1b1: {  	[tilespmem:v56+s20+$0x0] =	vst.idx.msk $0xffff, v8  }
0x1b2: {  	v8 =	vld @!p0 [tilespmem:s23+$0xFFFFFFFF];
	_ =	sdelay $0x4  }
0x1b3: {  	(v2sf) =	vpush @!p0 v8, $0x0;
	_ =	sdelay $0xe  }
0x1b4: {  	s28 =	spop @!p0 (v2sf)  }
0x1b5: {  	s28 =	sand.u32 @!p0 $0xFFFFF80, s28  }
0x1b6: {  	s29 =	simm.s32 @!p0 $0xC280;
	s28 =	sadd.s32 @!p0 s1, s28  }
0x1b7: {  	[tilespmem:s29], [sflag:$0x1] =	stream.strided.gather @!p0 [hbm4b:s28+s25], $0x2000, s26, s25, $0x38;
	[tilespmem:$0x18280] =	vst v63  }
0x1b8: {  	v8 =	vld [tilespmem:s23+$0xFFFFFFF8];
	_ =	sdelay $0x4  }
0x1b9: {  	(v2sf) =	vpush v8, $0x0;
	_ =	sdelay $0xe  }
0x1ba: {  	s31 =	spop (v2sf)  }
0x1bb: {  	s25 =	sand.u32 $0x7F, s31  }
0x1bc: {  	v8 =	vor.u32 s25, v1;
	_ =	sdelay $0x4  }
0x1bd: {  	v57 =	vor.u32 s24, v0;
	v8 =	vld.idx.msk [tilespmem:v8+s18+$0x0], $0xffff  }
0x1be: {  	v58 =	vor.u32 s25, v2;
	_ =	sdelay $0x3  }
0x1bf: {  	[tilespmem:v57+s20+$0x0] =	vst.idx.msk $0xffff, v8  }
0x1c0: {  	v59 =	vor.u32 s24, v3;
	v8 =	vld.idx.msk [tilespmem:v58+s18+$0x0], $0xffff  }
0x1c1: {  	v60 =	vor.u32 s25, v4;
	_ =	sdelay $0x3  }
0x1c2: {  	[tilespmem:v59+s20+$0x0] =	vst.idx.msk $0xffff, v8  }
0x1c3: {  	v61 =	vor.u32 s24, v5;
	v8 =	vld.idx.msk [tilespmem:v60+s18+$0x0], $0xffff  }
0x1c4: {  	v62 =	vor.u32 s25, v6;
	_ =	sdelay $0x3  }
0x1c5: {  	[tilespmem:v61+s20+$0x0] =	vst.idx.msk $0xffff, v8  }
0x1c6: {  	v63 =	vor.u32 s24, v7;
	v8 =	vld.idx.msk [tilespmem:v62+s18+$0x0], $0xffff  }
.Ltmp3:
0x1c7: {  	_ = 	snop;
	(pc) =	sbr.rel @p0 .LBB2_6-.Ltmp3, $2  }
0x1c8: {  	_ =	sdelay $0x2  }
0x1c9: {  	[tilespmem:v63+s20+$0x0] =	vst.idx.msk $0xffff, v8  }
0x1ca: {  	v8 =	vld [tilespmem:s23+$0x0];
	_ =	sdelay $0x4  }
0x1cb: {  	(v2sf) =	vpush v8, $0x0;
	_ =	sdelay $0xd  }
.Ltmp4:
0x1cc: {  	_ = 	snop;
	(pc) =	sbr.rel .LBB2_4-.Ltmp4, $4  }
0x1cd: {  	s24 =	spop (v2sf)  }
0x1ce: {  	s24 =	sand.u32 $0xFFFFF80, s24  }
0x1cf: {  	s22 =	sadd.s32 $0x8, s22;
	s23 =	sadd.s32 $0x8, s23;
	s24 =	sadd.s32 s1, s24  }
0x1d0: {  	[tilespmem:s18], [sflag:$0x1] =	stream.strided.gather [hbm4b:s24+s9], $0x2000, s10, s9, $0x38;
	[tilespmem:$0x18280] =	vst v63  }
.LBB2_7:
0x1d1: {  	_ =	sfence.sel $0x180000  }
0x1d2: {  	[bflag:$0x0] =	sbarrier.arrive $0xFFFF  }
0x1d3: {  	p0 =	sne.s32 s2, $0x0;
	_ =	strace $0x90000047  }
0x1d4: {  	s0 =	sadd.s32 @!p0 $0x100000, s0;
	[bflag:$0x2] =	sbarrier.arrive $0xFFFF  }
0x1d5: {  	[sflag:s0] =	ssyncadd.tile.s32 @!p0 $0x1;
	_ =	shalt  }
.Lfunc_end2:
_tile_overlayer_lowered:
.L_overlay_start_2:
0x1d6: {  	(tag) =	ssettag $0x2  }
0x1d7: {  	s0 =	rddreg [dreg:$0x0];
	s2 =	stileid.u32  }
0x1d8: {  	s1 =	rddreg [dreg:$0x1];
	p0 =	sne.s32 s2, $0x0  }
0x1d9: {  	s3 =	rddreg [dreg:$0x2];
	[bflag:$0x3] =	sbarrier.arrive $0xFFFF;
	s2 =	simm.s32 @!p0 $0x1C02  }
0x1da: {  	[timem:s3], [sflag:s2] =	dma.local @!p0 [hbm:s0], s1  }
0x1db: {  	s0 =	simm.s32 @!p0 $0x2  }
0x1dc: {  	_ =	swait.ge @!p0 [sflag:s0], s1  }
0x1dd: {  	s1 =	ssub.s32 @!p0 $0x0, s1;
	[sflag:s0] =	ssyncset.done @!p0 $0x0  }
0x1de: {  	[sflag:s0] =	ssyncadd.s32 @!p0 s1  }
0x1df: {  	[bflag:$0x3] =	sbarrier.arrive $0xFFFF  }
0x1e0: {  	_ =	shalt  }

</sc_bundles>
